<compile_context>
chip_gen: v7x
topology: tpu7x:2x2x1
jax: 0.10.2.dev20260603
libtpu: 0.0.44.dev20260713+nightly
codegen_flags: <defaults>
</compile_context>

<pallas_src>
import jax
import jax.numpy as jnp
from jax.experimental import pallas as pl
from jax.experimental.pallas import tpu as pltpu

DIM_K = 2048
NG = 16
GS = 4096
CAP = 320
QW = NG * CAP
TB1 = 512
NB1 = GS // TB1
TB2 = 128
NB2 = GS // TB2
EPS_ = 1e-9
NEG_BIG = -3.4e38


def _p1_body(x_ref, w_ref, sm_out, cnt_out, sum_out, acc_ref):
    i = pl.program_id(0)

    @pl.when(i == 0)
    def _init():
        acc_ref[...] = jnp.zeros_like(acc_ref)

    raw = jnp.dot(x_ref[...], w_ref[...],
                  preferred_element_type=jnp.float32)
    m = jnp.max(raw, axis=1, keepdims=True)
    e = jnp.exp(raw - m)
    sm = e / jnp.sum(e, axis=1, keepdims=True)
    sm_out[...] = sm
    g1 = jnp.max(sm, axis=1, keepdims=True)
    iota = jax.lax.broadcasted_iota(jnp.int32, (TB1, NG), 1)
    i1 = jnp.min(jnp.where(sm == g1, iota, NG), axis=1, keepdims=True)
    mask1 = (iota == i1).astype(jnp.float32)
    acc_ref[0:1, :] += jnp.sum(mask1, axis=0, keepdims=True)
    acc_ref[1:2, :] += jnp.sum(sm, axis=0, keepdims=True)

    @pl.when(i == NB1 - 1)
    def _fin():
        cnt_out[...] = acc_ref[0:1, :]
        sum_out[...] = acc_ref[1:2, :]


def _top2(sm):
    iota = jax.lax.broadcasted_iota(jnp.int32, sm.shape, 1)
    g1 = jnp.max(sm, axis=1, keepdims=True)
    i1 = jnp.min(jnp.where(sm == g1, iota, NG), axis=1, keepdims=True)
    masked = jnp.where(iota == i1, NEG_BIG, sm)
    g2 = jnp.max(masked, axis=1, keepdims=True)
    i2 = jnp.min(jnp.where(masked == g2, iota, NG), axis=1, keepdims=True)
    return g1, i1, g2, i2, iota


def _p2_body(sm_ref, cnt_ref, sum_ref, disp_ref, comb_ref,
             loss_ref, c1_ref, c2_ref, acc_ref):
    j = pl.program_id(0)

    @pl.when(j == 0)
    def _init():
        acc_ref[...] = jnp.zeros_like(acc_ref)

    sm = sm_ref[...]
    g1, i1, g2, i2, iota = _top2(sm)
    mask1 = (iota == i1).astype(jnp.float32)
    mask2 = (iota == i2).astype(jnp.float32)

    r = jax.lax.broadcasted_iota(jnp.int32, (TB2, TB2), 0)
    c = jax.lax.broadcasted_iota(jnp.int32, (TB2, TB2), 1)
    tril = (r > c).astype(jnp.float32)
    prev1 = jnp.dot(tril, mask1, preferred_element_type=jnp.float32)
    prev2 = jnp.dot(tril, mask2, preferred_element_type=jnp.float32)

    c1_run = acc_ref[0:1, :]
    c2_run = acc_ref[1:2, :]
    m1cnt = jnp.minimum(cnt_ref[...], float(CAP))

    pos1 = jnp.sum((c1_run + prev1) * mask1, axis=1, keepdims=True)
    keep1 = (pos1 < float(CAP)).astype(jnp.float32)
    pos2 = jnp.sum((c2_run + prev2 + m1cnt) * mask2, axis=1, keepdims=True)
    keep2 = (pos2 < float(CAP)).astype(jnp.float32)

    acc_ref[0:1, :] += jnp.sum(mask1, axis=0, keepdims=True)
    acc_ref[1:2, :] += jnp.sum(mask2, axis=0, keepdims=True)
    acc_ref[2:3, :] += jnp.sum(mask2 * keep2, axis=0, keepdims=True)

    denom = g1 + g2 + EPS_
    g1k = (g1 / denom) * keep1
    g2k = (g2 / denom) * keep2

    piota = jax.lax.broadcasted_iota(jnp.int32, (TB2, CAP), 1)
    ohp1 = (piota == pos1.astype(jnp.int32)).astype(jnp.float32)
    ohp2 = (piota == pos2.astype(jnp.int32)).astype(jnp.float32)
    a1 = g1k * mask1
    a2 = g2k * mask2
    comb = (a1[:, :, None] * ohp1[:, None, :]
            + a2[:, :, None] * ohp2[:, None, :])
    comb_ref[...] = comb
    disp_ref[...] = (comb != 0.0).astype(jnp.float32)

    @pl.when(j == NB2 - 1)
    def _fin():
        c1_ref[...] = jnp.minimum(cnt_ref[...], float(CAP))
        c2_ref[...] = acc_ref[2:3, :]
        loss_ref[...] = jnp.sum(cnt_ref[...] * sum_ref[...],
                                axis=1, keepdims=True) * (
                                    float(NG) / (float(GS) * float(GS)))


def kernel(x, w_gating):
    x2 = x.reshape(GS, DIM_K)
    sm, cnt, ssum = pl.pallas_call(
        _p1_body,
        grid=(NB1,),
        in_specs=[
            pl.BlockSpec((TB1, DIM_K), lambda i: (i, 0)),
            pl.BlockSpec((DIM_K, NG), lambda i: (0, 0)),
        ],
        out_specs=[
            pl.BlockSpec((TB1, NG), lambda i: (i, 0)),
            pl.BlockSpec((1, NG), lambda i: (0, 0)),
            pl.BlockSpec((1, NG), lambda i: (0, 0)),
        ],
        out_shape=[
            jax.ShapeDtypeStruct((GS, NG), jnp.float32),
            jax.ShapeDtypeStruct((1, NG), jnp.float32),
            jax.ShapeDtypeStruct((1, NG), jnp.float32),
        ],
        scratch_shapes=[pltpu.VMEM((2, NG), jnp.float32)],
        compiler_params=pltpu.CompilerParams(
            dimension_semantics=("arbitrary",)),
    )(x2, w_gating)

    disp, comb, loss, c1, c2 = pl.pallas_call(
        _p2_body,
        grid=(NB2,),
        in_specs=[
            pl.BlockSpec((TB2, NG), lambda j: (j, 0)),
            pl.BlockSpec((1, NG), lambda j: (0, 0)),
            pl.BlockSpec((1, NG), lambda j: (0, 0)),
        ],
        out_specs=[
            pl.BlockSpec((TB2, NG, CAP), lambda j: (j, 0, 0)),
            pl.BlockSpec((TB2, NG, CAP), lambda j: (j, 0, 0)),
            pl.BlockSpec((1, 1), lambda j: (0, 0)),
            pl.BlockSpec((1, NG), lambda j: (0, 0)),
            pl.BlockSpec((1, NG), lambda j: (0, 0)),
        ],
        out_shape=[
            jax.ShapeDtypeStruct((GS, NG, CAP), jnp.float32),
            jax.ShapeDtypeStruct((GS, NG, CAP), jnp.float32),
            jax.ShapeDtypeStruct((1, 1), jnp.float32),
            jax.ShapeDtypeStruct((1, NG), jnp.float32),
            jax.ShapeDtypeStruct((1, NG), jnp.float32),
        ],
        scratch_shapes=[pltpu.VMEM((4, NG), jnp.float32)],
        compiler_params=pltpu.CompilerParams(
            dimension_semantics=("arbitrary",)),
    )(sm, cnt, ssum)

    return (disp[None], comb[None], loss[0, 0], c1, c2)

# --- scband reference (transcript-rebuilt; emitter-appended) ---
"""Pipeline reference for scband-top2-gating-59605556134257 (READ-ONLY COPY).

The authoritative reference and input builder live on the scoring server;
editing this copy changes nothing except your own understanding.
"""

import jax, jax.numpy as jnp
import numpy as np

DIM = 2048
NUM_GATES = 16
GROUP = 4096
EPS = 1e-09
CAP_FACTOR = 1.25  # training-mode capacity factor
MIN_EXPERT_CAPACITY = 4


def setup_inputs(seed: int = 0) -> dict:
    key = jax.random.key(seed)
    k1, k2 = jax.random.split(key)
    x = jax.random.normal(k1, (1, GROUP, DIM), dtype=jnp.float32)
    w_gating = jax.random.normal(k2, (DIM, NUM_GATES), dtype=jnp.float32)
    return {"x": x, "w_gating": w_gating}


def cumsum_exclusive(t, axis):
    return jnp.cumsum(t, axis=axis) - t


def safe_one_hot(idx, depth):
    oh = jax.nn.one_hot(jnp.minimum(idx, depth), depth + 1, dtype=jnp.float32)
    return oh[..., :depth]


def reference(x, w_gating):
    group_size = x.shape[-2]
    num_gates = NUM_GATES
    raw = jnp.einsum('bnd,de->bne', x, w_gating).reshape(group_size, num_gates)
    raw_gates = jax.nn.softmax(raw, axis=-1)

    expert_capacity = max(min(group_size, int(group_size * CAP_FACTOR / num_gates)), MIN_EXPERT_CAPACITY)
    expert_capacity_f = float(expert_capacity)

    # get_indices (method='scot'): standard top-2 expert selection per token
    _, topk_idx = jax.lax.top_k(raw_gates, 2)
    index_1 = topk_idx[:, 0]
    index_2 = topk_idx[:, 1]

    gate_1 = jnp.take_along_axis(raw_gates, index_1[:, None], axis=1)[:, 0]
    mask_1 = jax.nn.one_hot(index_1, num_gates, dtype=jnp.float32)
    gate_2 = jnp.take_along_axis(raw_gates, index_2[:, None], axis=1)[:, 0]
    mask_2 = jax.nn.one_hot(index_2, num_gates, dtype=jnp.float32)

    denom = gate_1 + gate_2 + EPS
    gate_1 = gate_1 / denom
    gate_2 = gate_2 / denom

    density_1 = mask_1.mean(axis=-2)
    density_1_proxy = raw_gates.mean(axis=-2)
    loss = jnp.mean(density_1_proxy * density_1) * float(num_gates ** 2)

    position_in_expert_1 = cumsum_exclusive(mask_1, axis=-2) * mask_1
    mask_1 = mask_1 * (position_in_expert_1 < expert_capacity_f).astype(jnp.float32)
    mask_1_count = mask_1.sum(axis=-2, keepdims=True)
    mask_1_flat = mask_1.sum(axis=-1)
    position_in_expert_1 = position_in_expert_1.sum(axis=-1)
    gate_1 = gate_1 * mask_1_flat

    position_in_expert_2 = cumsum_exclusive(mask_2, axis=-2) + mask_1_count
    position_in_expert_2 = position_in_expert_2 * mask_2
    mask_2 = mask_2 * (position_in_expert_2 < expert_capacity_f).astype(jnp.float32)
    mask_2_flat = mask_2.sum(axis=-1)
    mask_2_count = mask_2.sum(axis=-2, keepdims=True)
    position_in_expert_2 = position_in_expert_2.sum(axis=-1)
    gate_2 = gate_2 * mask_2_flat

    combine_tensor = (
        gate_1[..., None, None]
        * mask_1_flat[..., None, None]
        * jax.nn.one_hot(index_1, num_gates, dtype=jnp.float32)[..., None]
        * safe_one_hot(position_in_expert_1.astype(jnp.int32), expert_capacity)[..., None, :]
        + gate_2[..., None, None]
        * mask_2_flat[..., None, None]
        * jax.nn.one_hot(index_2, num_gates, dtype=jnp.float32)[..., None]
        * safe_one_hot(position_in_expert_2.astype(jnp.int32), expert_capacity)[..., None, :]
    )
    dispatch_tensor = (combine_tensor != 0).astype(combine_tensor.dtype)

    return (dispatch_tensor[None], combine_tensor[None], loss, mask_1_count, mask_2_count)

if __name__ == "__main__":
    import jax
    _d = setup_inputs()
    print(jax.jit(kernel)(*tuple(_d.values())))

</pallas_src>

<mosaic_0001>
module attributes {stable_mosaic.version = 14 : i64} {
  func.func @_p2_body(%arg0: i32, %arg1: memref<128x16xf32, #tpu.memory_space<vmem>>, %arg2: memref<1x16xf32, #tpu.memory_space<vmem>>, %arg3: memref<1x16xf32, #tpu.memory_space<vmem>>, %arg4: memref<128x16x320xf32, #tpu.memory_space<vmem>>, %arg5: memref<128x16x320xf32, #tpu.memory_space<vmem>>, %arg6: memref<1x1xf32, #tpu.memory_space<vmem>>, %arg7: memref<1x16xf32, #tpu.memory_space<vmem>>, %arg8: memref<1x16xf32, #tpu.memory_space<vmem>>, %arg9: memref<4x16xf32, #tpu.memory_space<vmem>>) attributes {dimension_semantics = [#tpu.dimension_semantics<arbitrary>], iteration_bounds = array<i64: 32>, scalar_prefetch = 0 : i64, scratch_operands = 1 : i64, tpu.core_type = #tpu.core_type<tc>, window_params = [{transform_indices = @transform_0, window_bounds = array<i64: 128, 16>}, {pipeline_mode = #tpu.pipeline_mode<synchronous>, transform_indices = @transform_1, window_bounds = array<i64: 1, 16>}, {pipeline_mode = #tpu.pipeline_mode<synchronous>, transform_indices = @transform_2, window_bounds = array<i64: 1, 16>}, {transform_indices = @transform_3, window_bounds = array<i64: 128, 16, 320>}, {transform_indices = @transform_4, window_bounds = array<i64: 128, 16, 320>}, {pipeline_mode = #tpu.pipeline_mode<synchronous>, transform_indices = @transform_5, window_bounds = array<i64: 1, 1>}, {pipeline_mode = #tpu.pipeline_mode<synchronous>, transform_indices = @transform_6, window_bounds = array<i64: 1, 16>}, {pipeline_mode = #tpu.pipeline_mode<synchronous>, transform_indices = @transform_7, window_bounds = array<i64: 1, 16>}]} {
    %eq3A = arith.constant 0 : i32
    %eq3A_0 = arith.cmpi eq, %arg0, %eq3A : i32
    %convert_element_type3A = arith.extui %eq3A_0 : i1 to i32
    %cond3A = arith.constant 0 : i32
    %cond3A_1 = arith.cmpi ne, %convert_element_type3A, %cond3A : i32
    scf.if %cond3A_1 {
      %broadcast_in_dim3A_153 = arith.constant 0.000000e+00 : f32
      %broadcast_in_dim3A_154 = vector.broadcast %broadcast_in_dim3A_153 : f32 to vector<4x16xf32>
      %swap3A_155 = arith.constant 0 : index
      %swap3A_156 = arith.constant 0 : index
      %swap3A_157 = vector.load %arg9[%swap3A_155, %swap3A_156] : memref<4x16xf32, #tpu.memory_space<vmem>>, vector<4x16xf32>
      tpu.vector_store %arg9[%swap3A_155, %swap3A_156], %broadcast_in_dim3A_154 {strides = array<i32>} : memref<4x16xf32, #tpu.memory_space<vmem>>, vector<4x16xf32>,
    } else {
    }
    %get3A = arith.constant 0 : index
    %get3A_2 = arith.constant 0 : index
    %get3A_3 = vector.load %arg1[%get3A, %get3A_2] : memref<128x16xf32, #tpu.memory_space<vmem>>, vector<128x16xf32>
    %iota3A = tpu.iota {dimensions = array<i32: 1>} : vector<128x16xi32>
    %reduce_max3A = arith.constant dense<0xFF800000> : vector<128xf32>
    %reduce_max3A_4 = vector.multi_reduction <maximumf>, %get3A_3, %reduce_max3A [1] : vector<128x16xf32> to vector<128xf32>
    %broadcast_in_dim3A = vector.shape_cast %reduce_max3A_4 : vector<128xf32> to vector<128x1xf32>
    %eq3A_5 = vector.broadcast %broadcast_in_dim3A : vector<128x1xf32> to vector<128x16xf32>
    %eq3A_6 = arith.cmpf oeq, %get3A_3, %eq3A_5 : vector<128x16xf32>
    %jit3A = arith.constant 16 : i32
    %broadcast_in_dim3A_7 = vector.broadcast %jit3A : i32 to vector<128x16xi32>
    %select_n3A = arith.select %eq3A_6, %iota3A, %broadcast_in_dim3A_7 : vector<128x16xi1>, vector<128x16xi32>
    %reduce_min3A = arith.constant dense<2147483647> : vector<128xi32>
    %reduce_min3A_8 = vector.multi_reduction <minsi>, %select_n3A, %reduce_min3A [1] : vector<128x16xi32> to vector<128xi32>
    %broadcast_in_dim3A_9 = vector.shape_cast %reduce_min3A_8 : vector<128xi32> to vector<128x1xi32>
    %eq3A_10 = vector.broadcast %broadcast_in_dim3A_9 : vector<128x1xi32> to vector<128x16xi32>
    %eq3A_11 = arith.cmpi eq, %iota3A, %eq3A_10 : vector<128x16xi32>
    %jit3A_12 = arith.constant -3.400000e+38 : f32
    %broadcast_in_dim3A_13 = vector.broadcast %jit3A_12 : f32 to vector<128x16xf32>
    %select_n3A_14 = arith.select %eq3A_11, %broadcast_in_dim3A_13, %get3A_3 : vector<128x16xi1>, vector<128x16xf32>
    %reduce_max3A_15 = arith.constant dense<0xFF800000> : vector<128xf32>
    %reduce_max3A_16 = vector.multi_reduction <maximumf>, %select_n3A_14, %reduce_max3A_15 [1] : vector<128x16xf32> to vector<128xf32>
    %broadcast_in_dim3A_17 = vector.shape_cast %reduce_max3A_16 : vector<128xf32> to vector<128x1xf32>
    %eq3A_18 = vector.broadcast %broadcast_in_dim3A_17 : vector<128x1xf32> to vector<128x16xf32>
    %eq3A_19 = arith.cmpf oeq, %select_n3A_14, %eq3A_18 : vector<128x16xf32>
    %jit3A_20 = arith.constant 16 : i32
    %broadcast_in_dim3A_21 = vector.broadcast %jit3A_20 : i32 to vector<128x16xi32>
    %select_n3A_22 = arith.select %eq3A_19, %iota3A, %broadcast_in_dim3A_21 : vector<128x16xi1>, vector<128x16xi32>
    %reduce_min3A_23 = arith.constant dense<2147483647> : vector<128xi32>
    %reduce_min3A_24 = vector.multi_reduction <minsi>, %select_n3A_22, %reduce_min3A_23 [1] : vector<128x16xi32> to vector<128xi32>
    %broadcast_in_dim3A_25 = vector.shape_cast %reduce_min3A_24 : vector<128xi32> to vector<128x1xi32>
    %eq3A_26 = vector.broadcast %broadcast_in_dim3A_9 : vector<128x1xi32> to vector<128x16xi32>
    %eq3A_27 = arith.cmpi eq, %iota3A, %eq3A_26 : vector<128x16xi32>
    %convert_element_type3A_28 = arith.extui %eq3A_27 : vector<128x16xi1> to vector<128x16xi32>
    %convert_element_type3A_29 = arith.sitofp %convert_element_type3A_28 : vector<128x16xi32> to vector<128x16xf32>
    %eq3A_30 = vector.broadcast %broadcast_in_dim3A_25 : vector<128x1xi32> to vector<128x16xi32>
    %eq3A_31 = arith.cmpi eq, %iota3A, %eq3A_30 : vector<128x16xi32>
    %convert_element_type3A_32 = arith.extui %eq3A_31 : vector<128x16xi1> to vector<128x16xi32>
    %convert_element_type3A_33 = arith.sitofp %convert_element_type3A_32 : vector<128x16xi32> to vector<128x16xf32>
    %iota3A_34 = tpu.iota {dimensions = array<i32: 0>} : vector<128x128xi32>
    %iota3A_35 = tpu.iota {dimensions = array<i32: 1>} : vector<128x128xi32>
    %gt3A = arith.cmpi sgt, %iota3A_34, %iota3A_35 : vector<128x128xi32>
    %convert_element_type3A_36 = arith.extui %gt3A : vector<128x128xi1> to vector<128x128xi32>
    %convert_element_type3A_37 = arith.sitofp %convert_element_type3A_36 : vector<128x128xi32> to vector<128x128xf32>
    %dot_general3A = arith.constant dense<0.000000e+00> : vector<128x16xf32>
    %dot_general3A_38 = tpu.matmul %convert_element_type3A_37, %convert_element_type3A_29, %dot_general3A {dimension_numbers = #tpu.dot_dimension_numbers<[1], [0], [0], [1], [0, 0, 1, 1], [], []>, transpose_lhs_hint = false} : vector<128x128xf32>, vector<128x16xf32>, vector<128x16xf32> -> vector<128x16xf32>
    %dot_general3A_39 = arith.constant dense<0.000000e+00> : vector<128x16xf32>
    %dot_general3A_40 = tpu.matmul %convert_element_type3A_37, %convert_element_type3A_33, %dot_general3A_39 {dimension_numbers = #tpu.dot_dimension_numbers<[1], [0], [0], [1], [0, 0, 1, 1], [], []>, transpose_lhs_hint = false} : vector<128x128xf32>, vector<128x16xf32>, vector<128x16xf32> -> vector<128x16xf32>
    %get3A_41 = arith.constant 0 : index
    %get3A_42 = arith.constant 0 : index
    %get3A_43 = vector.load %arg9[%get3A_41, %get3A_42] : memref<4x16xf32, #tpu.memory_space<vmem>>, vector<1x16xf32>
    %get3A_44 = arith.constant 1 : index
    %get3A_45 = arith.constant 0 : index
    %get3A_46 = vector.load %arg9[%get3A_44, %get3A_45] : memref<4x16xf32, #tpu.memory_space<vmem>>, vector<1x16xf32>
    %get3A_47 = arith.constant 0 : index
    %get3A_48 = arith.constant 0 : index
    %get3A_49 = vector.load %arg2[%get3A_47, %get3A_48] : memref<1x16xf32, #tpu.memory_space<vmem>>, vector<1x16xf32>
    %min3A = arith.constant 3.200000e+02 : f32
    %min3A_50 = vector.broadcast %min3A : f32 to vector<1x16xf32>
    %min3A_51 = arith.minimumf %get3A_49, %min3A_50 : vector<1x16xf32>
    %add3A = vector.broadcast %get3A_43 : vector<1x16xf32> to vector<128x16xf32>
    %add3A_52 = arith.addf %add3A, %dot_general3A_38 : vector<128x16xf32>
    %mul3A = arith.mulf %add3A_52, %convert_element_type3A_29 : vector<128x16xf32>
    %reduce_sum3A = arith.constant dense<0.000000e+00> : vector<128xf32>
    %reduce_sum3A_53 = vector.multi_reduction <add>, %mul3A, %reduce_sum3A [1] : vector<128x16xf32> to vector<128xf32>
    %broadcast_in_dim3A_54 = vector.shape_cast %reduce_sum3A_53 : vector<128xf32> to vector<128x1xf32>
    %lt3A = arith.constant 3.200000e+02 : f32
    %lt3A_55 = vector.broadcast %lt3A : f32 to vector<128x1xf32>
    %lt3A_56 = arith.cmpf olt, %broadcast_in_dim3A_54, %lt3A_55 : vector<128x1xf32>
    %convert_element_type3A_57 = arith.extui %lt3A_56 : vector<128x1xi1> to vector<128x1xi32>
    %convert_element_type3A_58 = arith.sitofp %convert_element_type3A_57 : vector<128x1xi32> to vector<128x1xf32>
    %add3A_59 = vector.broadcast %get3A_46 : vector<1x16xf32> to vector<128x16xf32>
    %add3A_60 = arith.addf %add3A_59, %dot_general3A_40 : vector<128x16xf32>
    %add3A_61 = vector.broadcast %min3A_51 : vector<1x16xf32> to vector<128x16xf32>
    %add3A_62 = arith.addf %add3A_60, %add3A_61 : vector<128x16xf32>
    %mul3A_63 = arith.mulf %add3A_62, %convert_element_type3A_33 : vector<128x16xf32>
    %reduce_sum3A_64 = arith.constant dense<0.000000e+00> : vector<128xf32>
    %reduce_sum3A_65 = vector.multi_reduction <add>, %mul3A_63, %reduce_sum3A_64 [1] : vector<128x16xf32> to vector<128xf32>
    %broadcast_in_dim3A_66 = vector.shape_cast %reduce_sum3A_65 : vector<128xf32> to vector<128x1xf32>
    %lt3A_67 = arith.constant 3.200000e+02 : f32
    %lt3A_68 = vector.broadcast %lt3A_67 : f32 to vector<128x1xf32>
    %lt3A_69 = arith.cmpf olt, %broadcast_in_dim3A_66, %lt3A_68 : vector<128x1xf32>
    %convert_element_type3A_70 = arith.extui %lt3A_69 : vector<128x1xi1> to vector<128x1xi32>
    %convert_element_type3A_71 = arith.sitofp %convert_element_type3A_70 : vector<128x1xi32> to vector<128x1xf32>
    %get3A_72 = arith.constant 0 : index
    %get3A_73 = arith.constant 0 : index
    %get3A_74 = vector.load %arg9[%get3A_72, %get3A_73] : memref<4x16xf32, #tpu.memory_space<vmem>>, vector<1x16xf32>
    %reduce_sum3A_75 = arith.constant dense<0.000000e+00> : vector<16xf32>
    %reduce_sum3A_76 = vector.multi_reduction <add>, %convert_element_type3A_29, %reduce_sum3A_75 [0] : vector<128x16xf32> to vector<16xf32>
    %broadcast_in_dim3A_77 = vector.shape_cast %reduce_sum3A_76 : vector<16xf32> to vector<1x16xf32>
    %add3A_78 = arith.addf %get3A_74, %broadcast_in_dim3A_77 : vector<1x16xf32>
    %swap3A = arith.constant 0 : index
    %swap3A_79 = arith.constant 0 : index
    %swap3A_80 = vector.load %arg9[%swap3A, %swap3A_79] : memref<4x16xf32, #tpu.memory_space<vmem>>, vector<1x16xf32>
    tpu.vector_store %arg9[%swap3A, %swap3A_79], %add3A_78 {strides = array<i32>} : memref<4x16xf32, #tpu.memory_space<vmem>>, vector<1x16xf32>,
    %get3A_81 = arith.constant 1 : index
    %get3A_82 = arith.constant 0 : index
    %get3A_83 = vector.load %arg9[%get3A_81, %get3A_82] : memref<4x16xf32, #tpu.memory_space<vmem>>, vector<1x16xf32>
    %reduce_sum3A_84 = arith.constant dense<0.000000e+00> : vector<16xf32>
    %reduce_sum3A_85 = vector.multi_reduction <add>, %convert_element_type3A_33, %reduce_sum3A_84 [0] : vector<128x16xf32> to vector<16xf32>
    %broadcast_in_dim3A_86 = vector.shape_cast %reduce_sum3A_85 : vector<16xf32> to vector<1x16xf32>
    %add3A_87 = arith.addf %get3A_83, %broadcast_in_dim3A_86 : vector<1x16xf32>
    %swap3A_88 = arith.constant 1 : index
    %swap3A_89 = arith.constant 0 : index
    %swap3A_90 = vector.load %arg9[%swap3A_88, %swap3A_89] : memref<4x16xf32, #tpu.memory_space<vmem>>, vector<1x16xf32>
    tpu.vector_store %arg9[%swap3A_88, %swap3A_89], %add3A_87 {strides = array<i32>} : memref<4x16xf32, #tpu.memory_space<vmem>>, vector<1x16xf32>,
    %get3A_91 = arith.constant 2 : index
    %get3A_92 = arith.constant 0 : index
    %get3A_93 = vector.load %arg9[%get3A_91, %get3A_92] : memref<4x16xf32, #tpu.memory_space<vmem>>, vector<1x16xf32>
    %mul3A_94 = vector.broadcast %convert_element_type3A_71 : vector<128x1xf32> to vector<128x16xf32>
    %mul3A_95 = arith.mulf %convert_element_type3A_33, %mul3A_94 : vector<128x16xf32>
    %reduce_sum3A_96 = arith.constant dense<0.000000e+00> : vector<16xf32>
    %reduce_sum3A_97 = vector.multi_reduction <add>, %mul3A_95, %reduce_sum3A_96 [0] : vector<128x16xf32> to vector<16xf32>
    %broadcast_in_dim3A_98 = vector.shape_cast %reduce_sum3A_97 : vector<16xf32> to vector<1x16xf32>
    %add3A_99 = arith.addf %get3A_93, %broadcast_in_dim3A_98 : vector<1x16xf32>
    %swap3A_100 = arith.constant 2 : index
    %swap3A_101 = arith.constant 0 : index
    %swap3A_102 = vector.load %arg9[%swap3A_100, %swap3A_101] : memref<4x16xf32, #tpu.memory_space<vmem>>, vector<1x16xf32>
    tpu.vector_store %arg9[%swap3A_100, %swap3A_101], %add3A_99 {strides = array<i32>} : memref<4x16xf32, #tpu.memory_space<vmem>>, vector<1x16xf32>,
    %add3A_103 = arith.addf %broadcast_in_dim3A, %broadcast_in_dim3A_17 : vector<128x1xf32>
    %add3A_104 = arith.constant 9.99999971E-10 : f32
    %add3A_105 = vector.broadcast %add3A_104 : f32 to vector<128x1xf32>
    %add3A_106 = arith.addf %add3A_103, %add3A_105 : vector<128x1xf32>
    %div3A = arith.divf %broadcast_in_dim3A, %add3A_106 : vector<128x1xf32>
    %mul3A_107 = arith.mulf %div3A, %convert_element_type3A_58 : vector<128x1xf32>
    %div3A_108 = arith.divf %broadcast_in_dim3A_17, %add3A_106 : vector<128x1xf32>
    %mul3A_109 = arith.mulf %div3A_108, %convert_element_type3A_71 : vector<128x1xf32>
    %iota3A_110 = tpu.iota {dimensions = array<i32: 1>} : vector<128x320xi32>
    %convert_element_type3A_111 = arith.fptosi %broadcast_in_dim3A_54 : vector<128x1xf32> to vector<128x1xi32>
    %eq3A_112 = vector.broadcast %convert_element_type3A_111 : vector<128x1xi32> to vector<128x320xi32>
    %eq3A_113 = arith.cmpi eq, %iota3A_110, %eq3A_112 : vector<128x320xi32>
    %convert_element_type3A_114 = arith.extui %eq3A_113 : vector<128x320xi1> to vector<128x320xi32>
    %convert_element_type3A_115 = arith.sitofp %convert_element_type3A_114 : vector<128x320xi32> to vector<128x320xf32>
    %convert_element_type3A_116 = arith.fptosi %broadcast_in_dim3A_66 : vector<128x1xf32> to vector<128x1xi32>
    %eq3A_117 = vector.broadcast %convert_element_type3A_116 : vector<128x1xi32> to vector<128x320xi32>
    %eq3A_118 = arith.cmpi eq, %iota3A_110, %eq3A_117 : vector<128x320xi32>
    %convert_element_type3A_119 = arith.extui %eq3A_118 : vector<128x320xi1> to vector<128x320xi32>
    %convert_element_type3A_120 = arith.sitofp %convert_element_type3A_119 : vector<128x320xi32> to vector<128x320xf32>
    %mul3A_121 = vector.broadcast %mul3A_107 : vector<128x1xf32> to vector<128x16xf32>
    %mul3A_122 = arith.mulf %mul3A_121, %convert_element_type3A_29 : vector<128x16xf32>
    %mul3A_123 = vector.broadcast %mul3A_109 : vector<128x1xf32> to vector<128x16xf32>
    %mul3A_124 = arith.mulf %mul3A_123, %convert_element_type3A_33 : vector<128x16xf32>
    %broadcast_in_dim3A_125 = vector.shape_cast %mul3A_122 : vector<128x16xf32> to vector<128x16x1xf32>
    %broadcast_in_dim3A_126 = vector.shape_cast %convert_element_type3A_115 : vector<128x320xf32> to vector<128x1x320xf32>
    %mul3A_127 = vector.broadcast %broadcast_in_dim3A_125 : vector<128x16x1xf32> to vector<128x16x320xf32>
    %mul3A_128 = vector.broadcast %broadcast_in_dim3A_126 : vector<128x1x320xf32> to vector<128x16x320xf32>
    %mul3A_129 = arith.mulf %mul3A_127, %mul3A_128 : vector<128x16x320xf32>
    %broadcast_in_dim3A_130 = vector.shape_cast %mul3A_124 : vector<128x16xf32> to vector<128x16x1xf32>
    %broadcast_in_dim3A_131 = vector.shape_cast %convert_element_type3A_120 : vector<128x320xf32> to vector<128x1x320xf32>
    %mul3A_132 = vector.broadcast %broadcast_in_dim3A_130 : vector<128x16x1xf32> to vector<128x16x320xf32>
    %mul3A_133 = vector.broadcast %broadcast_in_dim3A_131 : vector<128x1x320xf32> to vector<128x16x320xf32>
    %mul3A_134 = arith.mulf %mul3A_132, %mul3A_133 : vector<128x16x320xf32>
    %add3A_135 = arith.addf %mul3A_129, %mul3A_134 : vector<128x16x320xf32>
    %swap3A_136 = arith.constant 0 : index
    %swap3A_137 = arith.constant 0 : index
    %swap3A_138 = arith.constant 0 : index
    %swap3A_139 = vector.load %arg5[%swap3A_136, %swap3A_137, %swap3A_138] : memref<128x16x320xf32, #tpu.memory_space<vmem>>, vector<128x16x320xf32>
    tpu.vector_store %arg5[%swap3A_136, %swap3A_137, %swap3A_138], %add3A_135 {strides = array<i32>} : memref<128x16x320xf32, #tpu.memory_space<vmem>>, vector<128x16x320xf32>,
    %ne3A = arith.constant 0.000000e+00 : f32
    %ne3A_140 = vector.broadcast %ne3A : f32 to vector<128x16x320xf32>
    %ne3A_141 = arith.cmpf one, %add3A_135, %ne3A_140 : vector<128x16x320xf32>
    %convert_element_type3A_142 = arith.extui %ne3A_141 : vector<128x16x320xi1> to vector<128x16x320xi32>
    %convert_element_type3A_143 = arith.sitofp %convert_element_type3A_142 : vector<128x16x320xi32> to vector<128x16x320xf32>
    %swap3A_144 = arith.constant 0 : index
    %swap3A_145 = arith.constant 0 : index
    %swap3A_146 = arith.constant 0 : index
    %swap3A_147 = vector.load %arg4[%swap3A_144, %swap3A_145, %swap3A_146] : memref<128x16x320xf32, #tpu.memory_space<vmem>>, vector<128x16x320xf32>
    tpu.vector_store %arg4[%swap3A_144, %swap3A_145, %swap3A_146], %convert_element_type3A_143 {strides = array<i32>} : memref<128x16x320xf32, #tpu.memory_space<vmem>>, vector<128x16x320xf32>,
    %eq3A_148 = arith.constant 31 : i32
    %eq3A_149 = arith.cmpi eq, %arg0, %eq3A_148 : i32
    %convert_element_type3A_150 = arith.extui %eq3A_149 : i1 to i32
    %cond3A_151 = arith.constant 0 : i32
    %cond3A_152 = arith.cmpi ne, %convert_element_type3A_150, %cond3A_151 : i32
    scf.if %cond3A_152 {
      %get3A_153 = arith.constant 0 : index
      %get3A_154 = arith.constant 0 : index
      %get3A_155 = vector.load %arg2[%get3A_153, %get3A_154] : memref<1x16xf32, #tpu.memory_space<vmem>>, vector<1x16xf32>
      %min3A_156 = arith.constant 3.200000e+02 : f32
      %min3A_157 = vector.broadcast %min3A_156 : f32 to vector<1x16xf32>
      %min3A_158 = arith.minimumf %get3A_155, %min3A_157 : vector<1x16xf32>
      %swap3A_159 = arith.constant 0 : index
      %swap3A_160 = arith.constant 0 : index
      %swap3A_161 = vector.load %arg7[%swap3A_159, %swap3A_160] : memref<1x16xf32, #tpu.memory_space<vmem>>, vector<1x16xf32>
      tpu.vector_store %arg7[%swap3A_159, %swap3A_160], %min3A_158 {strides = array<i32>} : memref<1x16xf32, #tpu.memory_space<vmem>>, vector<1x16xf32>,
      %get3A_162 = arith.constant 2 : index
      %get3A_163 = arith.constant 0 : index
      %get3A_164 = vector.load %arg9[%get3A_162, %get3A_163] : memref<4x16xf32, #tpu.memory_space<vmem>>, vector<1x16xf32>
      %swap3A_165 = arith.constant 0 : index
      %swap3A_166 = arith.constant 0 : index
      %swap3A_167 = vector.load %arg8[%swap3A_165, %swap3A_166] : memref<1x16xf32, #tpu.memory_space<vmem>>, vector<1x16xf32>
      tpu.vector_store %arg8[%swap3A_165, %swap3A_166], %get3A_164 {strides = array<i32>} : memref<1x16xf32, #tpu.memory_space<vmem>>, vector<1x16xf32>,
      %get3A_168 = arith.constant 0 : index
      %get3A_169 = arith.constant 0 : index
      %get3A_170 = vector.load %arg2[%get3A_168, %get3A_169] : memref<1x16xf32, #tpu.memory_space<vmem>>, vector<1x16xf32>
      %get3A_171 = arith.constant 0 : index
      %get3A_172 = arith.constant 0 : index
      %get3A_173 = vector.load %arg3[%get3A_171, %get3A_172] : memref<1x16xf32, #tpu.memory_space<vmem>>, vector<1x16xf32>
      %mul3A_174 = arith.mulf %get3A_170, %get3A_173 : vector<1x16xf32>
      %reduce_sum3A_175 = arith.constant dense<0.000000e+00> : vector<1xf32>
      %reduce_sum3A_176 = vector.multi_reduction <add>, %mul3A_174, %reduce_sum3A_175 [1] : vector<1x16xf32> to vector<1xf32>
      %broadcast_in_dim3A_177 = vector.shape_cast %reduce_sum3A_176 : vector<1xf32> to vector<1x1xf32>
      %mul3A_178 = arith.constant 9.53674316E-7 : f32
      %mul3A_179 = vector.broadcast %mul3A_178 : f32 to vector<1x1xf32>
      %mul3A_180 = arith.mulf %broadcast_in_dim3A_177, %mul3A_179 : vector<1x1xf32>
      %swap3A_181 = arith.constant 0 : index
      %swap3A_182 = arith.constant 0 : index
      %swap3A_183 = vector.load %arg6[%swap3A_181, %swap3A_182] : memref<1x1xf32, #tpu.memory_space<vmem>>, vector<1x1xf32>
      tpu.vector_store %arg6[%swap3A_181, %swap3A_182], %mul3A_180 {strides = array<i32>} : memref<1x1xf32, #tpu.memory_space<vmem>>, vector<1x1xf32>,
    } else {
    }
    return
  }
  func.func @transform_0(%arg0: i32) -> (i32, i32) {
    %c0_i32 = arith.constant 0 : i32
    %c0_i32_0 = arith.constant 0 : i32
    return %arg0, %c0_i32 : i32, i32
  }
  func.func @transform_1(%arg0: i32) -> (i32, i32) {
    %c0_i32 = arith.constant 0 : i32
    %c0_i32_0 = arith.constant 0 : i32
    %c0_i32_1 = arith.constant 0 : i32
    return %c0_i32, %c0_i32_0 : i32, i32
  }
  func.func @transform_2(%arg0: i32) -> (i32, i32) {
    %c0_i32 = arith.constant 0 : i32
    %c0_i32_0 = arith.constant 0 : i32
    %c0_i32_1 = arith.constant 0 : i32
    return %c0_i32, %c0_i32_0 : i32, i32
  }
  func.func @transform_3(%arg0: i32) -> (i32, i32, i32) {
    %c0_i32 = arith.constant 0 : i32
    %c0_i32_0 = arith.constant 0 : i32
    %c0_i32_1 = arith.constant 0 : i32
    return %arg0, %c0_i32, %c0_i32_0 : i32, i32, i32
  }
  func.func @transform_4(%arg0: i32) -> (i32, i32, i32) {
    %c0_i32 = arith.constant 0 : i32
    %c0_i32_0 = arith.constant 0 : i32
    %c0_i32_1 = arith.constant 0 : i32
    return %arg0, %c0_i32, %c0_i32_0 : i32, i32, i32
  }
  func.func @transform_5(%arg0: i32) -> (i32, i32) {
    %c0_i32 = arith.constant 0 : i32
    %c0_i32_0 = arith.constant 0 : i32
    %c0_i32_1 = arith.constant 0 : i32
    return %c0_i32, %c0_i32_0 : i32, i32
  }
  func.func @transform_6(%arg0: i32) -> (i32, i32) {
    %c0_i32 = arith.constant 0 : i32
    %c0_i32_0 = arith.constant 0 : i32
    %c0_i32_1 = arith.constant 0 : i32
    return %c0_i32, %c0_i32_0 : i32, i32
  }
  func.func @transform_7(%arg0: i32) -> (i32, i32) {
    %c0_i32 = arith.constant 0 : i32
    %c0_i32_0 = arith.constant 0 : i32
    %c0_i32_1 = arith.constant 0 : i32
    return %c0_i32, %c0_i32_0 : i32, i32
  }
}

module attributes {stable_mosaic.version = 14 : i64} {
  func.func @_p1_body(%arg0: i32, %arg1: memref<512x2048xf32, #tpu.memory_space<vmem>>, %arg2: memref<2048x16xf32, #tpu.memory_space<vmem>>, %arg3: memref<512x16xf32, #tpu.memory_space<vmem>>, %arg4: memref<1x16xf32, #tpu.memory_space<vmem>>, %arg5: memref<1x16xf32, #tpu.memory_space<vmem>>, %arg6: memref<2x16xf32, #tpu.memory_space<vmem>>) attributes {dimension_semantics = [#tpu.dimension_semantics<arbitrary>], iteration_bounds = array<i64: 8>, scalar_prefetch = 0 : i64, scratch_operands = 1 : i64, tpu.core_type = #tpu.core_type<tc>, window_params = [{transform_indices = @transform_0, window_bounds = array<i64: 512, 2048>}, {pipeline_mode = #tpu.pipeline_mode<synchronous>, transform_indices = @transform_1, window_bounds = array<i64: 2048, 16>}, {transform_indices = @transform_2, window_bounds = array<i64: 512, 16>}, {pipeline_mode = #tpu.pipeline_mode<synchronous>, transform_indices = @transform_3, window_bounds = array<i64: 1, 16>}, {pipeline_mode = #tpu.pipeline_mode<synchronous>, transform_indices = @transform_4, window_bounds = array<i64: 1, 16>}]} {
    %eq3A = arith.constant 0 : i32
    %eq3A_0 = arith.cmpi eq, %arg0, %eq3A : i32
    %convert_element_type3A = arith.extui %eq3A_0 : i1 to i32
    %cond3A = arith.constant 0 : i32
    %cond3A_1 = arith.cmpi ne, %convert_element_type3A, %cond3A : i32
    scf.if %cond3A_1 {
      %broadcast_in_dim3A_51 = arith.constant 0.000000e+00 : f32
      %broadcast_in_dim3A_52 = vector.broadcast %broadcast_in_dim3A_51 : f32 to vector<2x16xf32>
      %swap3A_53 = arith.constant 0 : index
      %swap3A_54 = arith.constant 0 : index
      %swap3A_55 = vector.load %arg6[%swap3A_53, %swap3A_54] : memref<2x16xf32, #tpu.memory_space<vmem>>, vector<2x16xf32>
      tpu.vector_store %arg6[%swap3A_53, %swap3A_54], %broadcast_in_dim3A_52 {strides = array<i32>} : memref<2x16xf32, #tpu.memory_space<vmem>>, vector<2x16xf32>,
    } else {
    }
    %get3A = arith.constant 0 : index
    %get3A_2 = arith.constant 0 : index
    %get3A_3 = vector.load %arg1[%get3A, %get3A_2] : memref<512x2048xf32, #tpu.memory_space<vmem>>, vector<512x2048xf32>
    %get3A_4 = arith.constant 0 : index
    %get3A_5 = arith.constant 0 : index
    %get3A_6 = vector.load %arg2[%get3A_4, %get3A_5] : memref<2048x16xf32, #tpu.memory_space<vmem>>, vector<2048x16xf32>
    %dot_general3A = arith.constant dense<0.000000e+00> : vector<512x16xf32>
    %dot_general3A_7 = tpu.matmul %get3A_3, %get3A_6, %dot_general3A {dimension_numbers = #tpu.dot_dimension_numbers<[1], [0], [0], [1], [0, 0, 1, 1], [], []>, transpose_lhs_hint = false} : vector<512x2048xf32>, vector<2048x16xf32>, vector<512x16xf32> -> vector<512x16xf32>
    %reduce_max3A = arith.constant dense<0xFF800000> : vector<512xf32>
    %reduce_max3A_8 = vector.multi_reduction <maximumf>, %dot_general3A_7, %reduce_max3A [1] : vector<512x16xf32> to vector<512xf32>
    %broadcast_in_dim3A = vector.shape_cast %reduce_max3A_8 : vector<512xf32> to vector<512x1xf32>
    %sub3A = vector.broadcast %broadcast_in_dim3A : vector<512x1xf32> to vector<512x16xf32>
    %sub3A_9 = arith.subf %dot_general3A_7, %sub3A : vector<512x16xf32>
    %exp3A = math.exp %sub3A_9 : vector<512x16xf32>
    %reduce_sum3A = arith.constant dense<0.000000e+00> : vector<512xf32>
    %reduce_sum3A_10 = vector.multi_reduction <add>, %exp3A, %reduce_sum3A [1] : vector<512x16xf32> to vector<512xf32>
    %broadcast_in_dim3A_11 = vector.shape_cast %reduce_sum3A_10 : vector<512xf32> to vector<512x1xf32>
    %div3A = vector.broadcast %broadcast_in_dim3A_11 : vector<512x1xf32> to vector<512x16xf32>
    %div3A_12 = arith.divf %exp3A, %div3A : vector<512x16xf32>
    %swap3A = arith.constant 0 : index
    %swap3A_13 = arith.constant 0 : index
    %swap3A_14 = vector.load %arg3[%swap3A, %swap3A_13] : memref<512x16xf32, #tpu.memory_space<vmem>>, vector<512x16xf32>
    tpu.vector_store %arg3[%swap3A, %swap3A_13], %div3A_12 {strides = array<i32>} : memref<512x16xf32, #tpu.memory_space<vmem>>, vector<512x16xf32>,
    %reduce_max3A_15 = arith.constant dense<0xFF800000> : vector<512xf32>
    %reduce_max3A_16 = vector.multi_reduction <maximumf>, %div3A_12, %reduce_max3A_15 [1] : vector<512x16xf32> to vector<512xf32>
    %broadcast_in_dim3A_17 = vector.shape_cast %reduce_max3A_16 : vector<512xf32> to vector<512x1xf32>
    %iota3A = tpu.iota {dimensions = array<i32: 1>} : vector<512x16xi32>
    %eq3A_18 = vector.broadcast %broadcast_in_dim3A_17 : vector<512x1xf32> to vector<512x16xf32>
    %eq3A_19 = arith.cmpf oeq, %div3A_12, %eq3A_18 : vector<512x16xf32>
    %jit3A = arith.constant 16 : i32
    %broadcast_in_dim3A_20 = vector.broadcast %jit3A : i32 to vector<512x16xi32>
    %select_n3A = arith.select %eq3A_19, %iota3A, %broadcast_in_dim3A_20 : vector<512x16xi1>, vector<512x16xi32>
    %reduce_min3A = arith.constant dense<2147483647> : vector<512xi32>
    %reduce_min3A_21 = vector.multi_reduction <minsi>, %select_n3A, %reduce_min3A [1] : vector<512x16xi32> to vector<512xi32>
    %broadcast_in_dim3A_22 = vector.shape_cast %reduce_min3A_21 : vector<512xi32> to vector<512x1xi32>
    %eq3A_23 = vector.broadcast %broadcast_in_dim3A_22 : vector<512x1xi32> to vector<512x16xi32>
    %eq3A_24 = arith.cmpi eq, %iota3A, %eq3A_23 : vector<512x16xi32>
    %convert_element_type3A_25 = arith.extui %eq3A_24 : vector<512x16xi1> to vector<512x16xi32>
    %convert_element_type3A_26 = arith.sitofp %convert_element_type3A_25 : vector<512x16xi32> to vector<512x16xf32>
    %get3A_27 = arith.constant 0 : index
    %get3A_28 = arith.constant 0 : index
    %get3A_29 = vector.load %arg6[%get3A_27, %get3A_28] : memref<2x16xf32, #tpu.memory_space<vmem>>, vector<1x16xf32>
    %reduce_sum3A_30 = arith.constant dense<0.000000e+00> : vector<16xf32>
    %reduce_sum3A_31 = vector.multi_reduction <add>, %convert_element_type3A_26, %reduce_sum3A_30 [0] : vector<512x16xf32> to vector<16xf32>
    %broadcast_in_dim3A_32 = vector.shape_cast %reduce_sum3A_31 : vector<16xf32> to vector<1x16xf32>
    %add3A = arith.addf %get3A_29, %broadcast_in_dim3A_32 : vector<1x16xf32>
    %swap3A_33 = arith.constant 0 : index
    %swap3A_34 = arith.constant 0 : index
    %swap3A_35 = vector.load %arg6[%swap3A_33, %swap3A_34] : memref<2x16xf32, #tpu.memory_space<vmem>>, vector<1x16xf32>
    tpu.vector_store %arg6[%swap3A_33, %swap3A_34], %add3A {strides = array<i32>} : memref<2x16xf32, #tpu.memory_space<vmem>>, vector<1x16xf32>,
    %get3A_36 = arith.constant 1 : index
    %get3A_37 = arith.constant 0 : index
    %get3A_38 = vector.load %arg6[%get3A_36, %get3A_37] : memref<2x16xf32, #tpu.memory_space<vmem>>, vector<1x16xf32>
    %reduce_sum3A_39 = arith.constant dense<0.000000e+00> : vector<16xf32>
    %reduce_sum3A_40 = vector.multi_reduction <add>, %div3A_12, %reduce_sum3A_39 [0] : vector<512x16xf32> to vector<16xf32>
    %broadcast_in_dim3A_41 = vector.shape_cast %reduce_sum3A_40 : vector<16xf32> to vector<1x16xf32>
    %add3A_42 = arith.addf %get3A_38, %broadcast_in_dim3A_41 : vector<1x16xf32>
    %swap3A_43 = arith.constant 1 : index
    %swap3A_44 = arith.constant 0 : index
    %swap3A_45 = vector.load %arg6[%swap3A_43, %swap3A_44] : memref<2x16xf32, #tpu.memory_space<vmem>>, vector<1x16xf32>
    tpu.vector_store %arg6[%swap3A_43, %swap3A_44], %add3A_42 {strides = array<i32>} : memref<2x16xf32, #tpu.memory_space<vmem>>, vector<1x16xf32>,
    %eq3A_46 = arith.constant 7 : i32
    %eq3A_47 = arith.cmpi eq, %arg0, %eq3A_46 : i32
    %convert_element_type3A_48 = arith.extui %eq3A_47 : i1 to i32
    %cond3A_49 = arith.constant 0 : i32
    %cond3A_50 = arith.cmpi ne, %convert_element_type3A_48, %cond3A_49 : i32
    scf.if %cond3A_50 {
      %get3A_51 = arith.constant 0 : index
      %get3A_52 = arith.constant 0 : index
      %get3A_53 = vector.load %arg6[%get3A_51, %get3A_52] : memref<2x16xf32, #tpu.memory_space<vmem>>, vector<1x16xf32>
      %swap3A_54 = arith.constant 0 : index
      %swap3A_55 = arith.constant 0 : index
      %swap3A_56 = vector.load %arg4[%swap3A_54, %swap3A_55] : memref<1x16xf32, #tpu.memory_space<vmem>>, vector<1x16xf32>
      tpu.vector_store %arg4[%swap3A_54, %swap3A_55], %get3A_53 {strides = array<i32>} : memref<1x16xf32, #tpu.memory_space<vmem>>, vector<1x16xf32>,
      %get3A_57 = arith.constant 1 : index
      %get3A_58 = arith.constant 0 : index
      %get3A_59 = vector.load %arg6[%get3A_57, %get3A_58] : memref<2x16xf32, #tpu.memory_space<vmem>>, vector<1x16xf32>
      %swap3A_60 = arith.constant 0 : index
      %swap3A_61 = arith.constant 0 : index
      %swap3A_62 = vector.load %arg5[%swap3A_60, %swap3A_61] : memref<1x16xf32, #tpu.memory_space<vmem>>, vector<1x16xf32>
      tpu.vector_store %arg5[%swap3A_60, %swap3A_61], %get3A_59 {strides = array<i32>} : memref<1x16xf32, #tpu.memory_space<vmem>>, vector<1x16xf32>,
    } else {
    }
    return
  }
  func.func @transform_0(%arg0: i32) -> (i32, i32) {
    %c0_i32 = arith.constant 0 : i32
    %c0_i32_0 = arith.constant 0 : i32
    return %arg0, %c0_i32 : i32, i32
  }
  func.func @transform_1(%arg0: i32) -> (i32, i32) {
    %c0_i32 = arith.constant 0 : i32
    %c0_i32_0 = arith.constant 0 : i32
    %c0_i32_1 = arith.constant 0 : i32
    return %c0_i32, %c0_i32_0 : i32, i32
  }
  func.func @transform_2(%arg0: i32) -> (i32, i32) {
    %c0_i32 = arith.constant 0 : i32
    %c0_i32_0 = arith.constant 0 : i32
    return %arg0, %c0_i32 : i32, i32
  }
  func.func @transform_3(%arg0: i32) -> (i32, i32) {
    %c0_i32 = arith.constant 0 : i32
    %c0_i32_0 = arith.constant 0 : i32
    %c0_i32_1 = arith.constant 0 : i32
    return %c0_i32, %c0_i32_0 : i32, i32
  }
  func.func @transform_4(%arg0: i32) -> (i32, i32) {
    %c0_i32 = arith.constant 0 : i32
    %c0_i32_0 = arith.constant 0 : i32
    %c0_i32_1 = arith.constant 0 : i32
    return %c0_i32, %c0_i32_0 : i32, i32
  }
}

</mosaic_0001>

<sc_bundles>
// kernel: sparse-core-data-format-call.1.cloned.1.call-start
scs
called_computation.1_lowered:
.L_overlay_start_0:
0x0: {  	s2 =	sld [smem:$0x3FD9]  }
0x1: {  	s3 =	sld [smem:$0x3FFE];
	_ =	sdelay $0x1  }
0x2: {  	s1 =	srdreg.scid  }
0x3: {  	s0 =	sand.u32 $0x1, s1  }
0x4: {  	s16 =	sshll.u32 s0, $0xA;
	s2 =	sadd.s32 s3, s2  }
0x5: {  	s2 =	sadd.s32 s2, s16  }
0x6: {  	[smem:$0x3FC6] =	sst s2  }
0x7: {  	_ = 	snop  }
0x8: {  	s2 =	sld [smem:$0x3FD0];
	_ =	sdelay $0x2  }
0x9: {  	s17 =	simm.s32 $0xB;
	s4 =	simm.s32 $0x10  }
0xa: {  	[smem:s4], [sflag:s17] =	dma.local [hbm:s2], $0x1  }
0xb: {  	_ =	swait.eq [sflag:s17], $0x1  }
0xc: {  	[sflag:s17] =	ssyncset.done $0x0  }
0xd: {  	[sflag:s17] =	ssyncadd.s32 $0xFFFFFFFF  }
0xe: {  	s18 =	sld [smem:$0x10];
	(tm) =	ssettm $0x1  }
0xf: {  	s19 =	sld [smem:$0x3FFB];
	_ =	sdelay $0x3  }
0x10: {  	_ =	strace s19  }
0x11: {  	s2 =	sld [smem:$0x3FFC];
	_ =	sdelay $0x3  }
0x12: {  	_ =	strace s2  }
0x13: {  	s2 =	sld [smem:$0x3FFD];
	_ =	sdelay $0x3  }
0x14: {  	_ =	strace s2  }
0x15: {  	_ =	strace $0x8FFFFFFF  }
0x16: {  	s20 =	sld [smem:$0x3FDB];
	_ =	sdelay $0x1  }
0x17: {  	s21 =	simm.s32 $_scs_section_size  }
0x18: {  	s5 =	simm.s32 $_size__tile_overlayer_lowered;
	s6 =	simm.s32 $_tile_overlayer_lowered  }
0x19: {  	s7 =	simm.s32 $0x1BFF;
	s22 =	sshll.u32 s6, $0x1;
	s4 =	sadd.s32 s21, s20  }
0x1a: {  	s23 =	simm.s32 $0x0;
	s5 =	sshll.u32 s5, $0x1;
	s6 =	sadd.s32 s22, s4  }
0x1b: {  	[timem:s23], [sflag:s7] =	dma.local [hbm:s6], s5  }
0x1c: {  	_ =	swait.ge [sflag:s7], s5  }
0x1d: {  	s5 =	ssub.s32 $0x0, s5;
	[sflag:s7] =	ssyncset.done $0x0  }
0x1e: {  	[sflag:s7] =	ssyncadd.s32 s5;
	_ =	sdelay $0x1  }
0x1f: {  	s24 =	simm.s32 $0x1B8B  }
0x20: {  	_ =	swait.ge [sflag:s24], $0x1  }
0x21: {  	[sflag:s24] =	ssyncset.done $0x0  }
0x22: {  	[sflag:s24] =	ssyncadd.s32 $0xFFFFFFFF  }
0x23: {  	s5 =	sld [smem:$0x0]  }
0x24: {  	s6 =	sand.u32 $0xFFFFFFFE, s1  }
0x25: {  	p0 =	sne.s32 s1, s6  }
0x26: {  	s6 =	sshll.u32 @p0 s6, $0xE  }
0x27: {  	s6 =	sadd.s32 @p0 $0x11B8D, s6;
	s7 =	sshll.u32 @p0 s5, $0x11  }
0x28: {  	s6 =	sor.u32 @p0 s7, s6  }
0x29: {  	[sflag:s6] =	ssyncadd.remote.s32 @p0 $0x1;
	_ =	sdelay $0x1  }
0x2a: {  	s6 =	simm.s32 @p0 $0x1B8D  }
0x2b: {  	_ =	swait.eq @p0 [sflag:s6], $0x1  }
0x2c: {  	[sflag:s6] =	ssyncadd.s32 @p0 $0xFFFFFFFF  }
0x2d: {  	s7 =	sshll.u32 @!p0 s1, $0xE  }
0x2e: {  	s7 =	sor.u32 @!p0 $0x4000, s7;
	s6 =	simm.s32 @!p0 $0x1B8D  }
0x2f: {  	s5 =	sshll.u32 @!p0 s5, $0x11;
	s7 =	sadd.s32 @!p0 $0x11B8D, s7;
	_ =	swait.eq @!p0 [sflag:s6], $0x1  }
0x30: {  	s5 =	sor.u32 @!p0 s5, s7;
	[sflag:s6] =	ssyncadd.s32 @!p0 $0xFFFFFFFF  }
0x31: {  	s26 =	simm.s32 $0x1B8E;
	s25 =	sld [smem:$0x3FFE];
	[sflag:s5] =	ssyncadd.remote.s32 @!p0 $0x1  }
0x32: {  	s27 =	simm.s32 $execute0_lowered;
	[smem:$0x3FD2] =	sst s26  }
0x33: {  	s6 =	sshll.u32 s27, $0x1;
	_ =	strace $0x80000049;
	[dreg:$0x1] =	wrdreg $0xFFFFFFFF  }
0x34: {  	s28 =	simm.s32 $_size_execute0_lowered;
	s4 =	sadd.s32 s4, s6;
	[dreg:$0x0] =	wrdreg $0x0  }
0x35: {  	s6 =	sshll.u32 s28, $0x1;
	[dreg:$0x2] =	wrdreg s4  }
0x36: {  	[dreg:$0x3] =	wrdreg s6  }
0x37: {  	[dreg:$0x4] =	wrdreg $0xC0  }
0x38: {  	_ =	task [dreg:s23], $0x5FFFF  }
0x39: {  	[dreg:$0x1] =	wrdreg $0xFFFFFFFF  }
0x3a: {  	[dreg:$0x0] =	wrdreg $0x60  }
0x3b: {  	[dreg:$0x2] =	wrdreg s25  }
0x3c: {  	[dreg:$0x3] =	wrdreg s18  }
0x3d: {  	[dreg:$0x4] =	wrdreg $0xA  }
0x3e: {  	_ =	task.clear_ibuf [dreg:s23], $0x5FFFF;
	_ =	strace $0x90000049  }
0x3f: {  	s29 =	simm.s32 $0xA;
	_ =	strace $0x8000004B  }
0x40: {  	_ =	swait.ge [sflag:s29], $0x1  }
0x41: {  	[sflag:s29] =	ssyncadd.s32 $0xFFFFFFFF  }
0x42: {  	_ =	strace $0x9000004B  }
0x43: {  	_ =	sfence  }
0x44: {  	s30 =	sld [smem:$0x0];
	_ =	sdelay $0x2  }
0x45: {  	s31 =	sshll.u32 s1, $0xD;
	s1 =	sshrl.u32 s1, $0x2  }
0x46: {  	s4 =	sand.u32 $0x4000, s31;
	s1 =	sadd.s32 s1, s30  }
0x47: {  	s0 =	sor.u32 s4, s0;
	s1 =	sshll.u32 s1, $0x11  }
0x48: {  	s0 =	sor.u32 s1, s0  }
0x49: {  	s0 =	sadd.s32 $0x8F2B, s0  }
0x4a: {  	[sflag:s0] =	ssyncadd.remote.s32 $0x1  }
0x4b: {  	_ =	sfence.sel $0xFFFF  }
0x4c: {  	[dreg:$0x0] =	wrdreg $0xFFFFFFFF;
	(pc) =	sbr.abs _section_cstart, $3  }
0x4d: {  	[dreg:$0x1] =	wrdreg $0xFFFFFFFF  }
0x4e: {  	_ =	task.clear_ibuf [dreg:s23], $0x2FFFF;
	_ =	strace $0x9FFFFFFF  }
0x4f: {  	(tm) =	ssettm $0x7FFFFFFF  }
tec
execute0_lowered:
.L_overlay_start_1:
0x0: {  	(tag) =	ssettag $0x1  }
0x1: {  	s0 =	srdreg.scid;
	s6 =	rddreg [dreg:$0x0]  }
0x2: {  	s3 =	rddreg [dreg:$0x1];
	s1 =	sshll.u32 s0, $0x4  }
0x3: {  	s5 =	simm.s32 $0x1;
	s0 =	stileid.u32;
	s1 =	sand.u32 $0x10, s1  }
0x4: {  	s31 =	simm.s32 $0x2;
	s16 =	simm.s32 $0x0;
	s1 =	sor.u32 s0, s1  }
0x5: {  	s8 =	simm.s32 $0x8000;
	s18 =	simm.s32 $0x0;
	s2 =	sshll.u32 s1, $0x7  }
0x6: {  	s17 =	simm.s32 $0x0;
	s9 =	simm.s32 $0x0;
	s4 =	ssub.s32 $0x1000, s2  }
0x7: {  	s10 =	simm.s32 $0x0;
	s11 =	simm.s32 $0x0;
	s30 =	sand.u32 $0xF80, s4  }
0x8: {  	s12 =	simm.s32 $0x0;
	s13 =	simm.s32 $0x0;
	p0 =	sne.s32 s30, $0x0  }
.Ltmp0:
0x9: {  	s7 =	sshrl.u32 s4, $0xC;
	s5 =	simm.s32 @!p0 $0x0;
	(pc) =	sbr.rel .LBB1_1-.Ltmp0, $4  }
0xa: {  	s15 =	simm.s32 $0x0;
	s1 =	rddreg [dreg:$0x2];
	s5 =	sadd.s32 s5, s7  }
0xb: {  	_ =	strace $0x8000004A;
	s4 =	simm.s32 $0x1;
	s5 =	smul.u32 $0x30, s5  }
0xc: {  	s6 =	sadd.s32 $0x300C00, s6;
	s14 =	smov.u32 s2;
	[sflag:s4] =	ssyncpa.u1 $0x0  }
0xd: {  	[sflag:s31] =	ssyncpa.u1 $0x0;
	p0 =	por $0x0, $0x0;
	s7 =	sor.u32 $0x1, s5  }
.LBB1_4:
0xe: {  	s23 =	sshra.s32 s23, $0x2;
	s30 =	sshll.u32 s9, $0xC  }
0xf: {  	p1 =	sgt.s32 s10, $0xF;
	s24 =	smov.u32 s10;
	s25 =	sshra.s32 s10, $0x1F  }
0x10: {  	s26 =	sshll.u32 s11, $0x3;
	s28 =	smov.u32 s11;
	s29 =	sshra.s32 s11, $0x1F  }
0x11: {  	s22 =	sadd.s32 s23, s22;
	s24 =	simm.s32 @!p1 $0xF;
	s25 =	sand.u32 s25, s10  }
0x12: {  	s23 =	sand.u32 $0xFFFF8000, s30;
	s27 =	sand.u32 $0xFFFFFC00, s26;
	p1 =	sgt.s32 s9, $0xC0  }
0x13: {  	s31 =	sand.u32 s29, s11;
	s29 =	sshll.u32 s9, $0x7;
	s30 =	sshra.s32 s9, $0x1F  }
0x14: {  	[tilespmem:s21+$0x2040 ss:$0x81] =	vst.msk $0xffff, v4;
	s24 =	ssub.s32 s24, s25;
	s23 =	sadd.s32 s27, s23;
	s27 =	smov.u32 s9  }
0x15: {  	[tilespmem:s21+$0x2850 ss:$0x81] =	vst.msk $0xffff, v3;
	s29 =	sand.u32 $0x380, s29;
	s25 =	sadd.s32 $0xFFFFFFF1, s24;
	s27 =	simm.s32 @!p1 $0xC0  }
0x16: {  	v5 =	vld [tilespmem:s20+$0xFFFFFFD0];
	[tilespmem:s21+$0x3060 ss:$0x81] =	vst.msk $0xffff, v2;
	p1 =	sgt.s32 s11, $0xF80;
	s23 =	sshrl.u32 s23, $0xC;
	s24 =	ssub.s32 $0x10, s24  }
0x17: {  	v58 =	vld [tilespmem:s20+$0xFFFFFFE0];
	[tilespmem:s21+$0x0 ss:$0x81] =	vst.msk $0xffff, v1;
	s28 =	simm.s32 @!p1 $0xF80;
	p1 =	sgt.s32 s25, $0x0;
	s21 =	smulhi.u32 $0xCCCCCD, s23  }
0x18: {  	v59 =	vld [tilespmem:s20+$0xFFFFFFF0];
	s25 =	ssub.s32 s28, s31;
	s28 =	sand.u32 s30, s9;
	s24 =	simm.s32 @p1 $0x0  }
0x19: {  	v60 =	vld [tilespmem:s20+$0x0];
	s27 =	ssub.s32 s27, s28;
	s31 =	sadd.s32 $0xFFFFF080, s25;
	s25 =	ssub.s32 $0x1000, s25  }
0x1a: {  	v61 =	vld [tilespmem:s20+$0x10];
	[tilespmem:s22+$0x3870 ss:$0x81] =	vst.msk $0xffff, v0;
	s21 =	smul.u32 $0x140, s21;
	s28 =	sand.u32 $0x7, s11;
	p1 =	sgt.s32 s31, $0x7F  }
0x1b: {  	v62 =	vld [tilespmem:s20+$0x20];
	[tilespmem:s22+$0x810 ss:$0x81] =	vst.msk $0xffff, v5;
	s30 =	sadd.s32 $0xFFFFFF40, s27;
	s31 =	sand.u32 $0x78, s11;
	s25 =	simm.s32 @p1 $0x0  }
0x1c: {  	v63 =	vld [tilespmem:s20+$0xFFFFFFC0];
	[tilespmem:s22+$0x1020 ss:$0x81] =	vst.msk $0xffff, v58;
	p1 =	sgt.s32 s30, $0x7F;
	s30 =	sand.u32 $0xC00, s26;
	s24 =	smul.u32 s25, s24  }
0x1d: {  	[tilespmem:s22+$0x1830 ss:$0x81] =	vst.msk $0xffff, v59;
	s26 =	ssub.s32 $0x140, s27;
	s20 =	sor.u32 s31, s30;
	s31 =	smul.u32 $0x28000, s10  }
0x1e: {  	[tilespmem:s22+$0x2040 ss:$0x81] =	vst.msk $0xffff, v60;
	s21 =	ssub.s32 s23, s21;
	s26 =	simm.s32 @p1 $0x0;
	s20 =	sor.u32 s29, s20  }
0x1f: {  	[tilespmem:s22+$0x2850 ss:$0x81] =	vst.msk $0xffff, v61;
	s26 =	smul.u32 s26, s24;
	s20 =	sshrl.u32 s20, $0x3;
	s27 =	sadd.s32 s3, s31  }
0x20: {  	[tilespmem:s22+$0x3060 ss:$0x81] =	vst.msk $0xffff, v62;
	s21 =	sshll.u32 s21, $0x9;
	s29 =	sshll.u32 s28, $0x12;
	s20 =	sadd.s32 s20, s27  }
0x21: {  	[tilespmem:s22+$0x0 ss:$0x81] =	vst.msk $0xffff, v63;
	s31 =	sor.u32 $0x400, s29;
	s30 =	sand.u32 $0x3FFFFFFF, s26;
	s20 =	sadd.s32 s21, s20  }
0x22: {  	[hbm4b:s20+s31] =	stream.strided.scatter [tilespmem:s19], [sflag:$0x2], s30, s8, s31, $0x20;
	[tilespmem:$0x10100] =	vst v63  }
.LBB1_5:
0x23: {  	p1 =	slt.u32 s15, $0x2  }
0x24: {  	p2 =	sgt.s32 @!p1 s18, $0xF  }
0x25: {  	s19 =	smov.u32 s18;
	s20 =	sshra.s32 @!p1 s18, $0x1F;
	p2 =	por !p2, p1  }
0x26: {  	s18 =	sand.u32 @!p1 s20, s18;
	s19 =	simm.s32 @p2 $0xF  }
0x27: {  	p3 =	sgt.s32 @!p1 s16, $0xC0;
	s18 =	ssub.s32 @!p1 s19, s18  }
0x28: {  	p4 =	sgt.s32 @!p1 s17, $0xF80;
	s21 =	sshra.s32 @!p1 s17, $0x1F;
	s19 =	sadd.s32 @!p1 $0xFFFFFFF1, s18  }
0x29: {  	s20 =	smov.u32 s16;
	p2 =	sgt.s32 @!p1 s19, $0x0;
	s19 =	sshra.s32 @!p1 s16, $0x1F  }
0x2a: {  	p4 =	por !p4, p1;
	s16 =	sand.u32 @!p1 s19, s16;
	s19 =	smov.u32 s17  }
0x2b: {  	p3 =	por !p3, p1;
	s17 =	sand.u32 @!p1 s21, s17;
	s19 =	simm.s32 @p4 $0xF80  }
0x2c: {  	s20 =	simm.s32 @p3 $0xC0;
	s18 =	ssub.s32 @!p1 $0x10, s18;
	s17 =	ssub.s32 @!p1 s19, s17  }
0x2d: {  	p2 =	por !p2, p1;
	s16 =	ssub.s32 @!p1 s20, s16;
	s20 =	sadd.s32 @!p1 $0xFFFFF080, s17  }
0x2e: {  	s18 =	simm.s32 @!p2 $0x0;
	p3 =	sgt.s32 @!p1 s20, $0x7F  }
0x2f: {  	s19 =	sadd.s32 @!p1 $0xFFFFFF40, s16;
	s17 =	ssub.s32 @!p1 $0x1000, s17;
	p3 =	por !p3, p1  }
0x30: {  	p2 =	sgt.s32 @!p1 s19, $0x7F;
	s19 =	sadd.s32 $0x80, s12;
	s17 =	simm.s32 @!p3 $0x0  }
0x31: {  	p3 =	sgt.s32 s19, $0x13F;
	s17 =	smul.u32 @!p1 s17, s18;
	s18 =	simm.s32 $0x1  }
0x32: {  	s16 =	ssub.s32 @!p1 $0x140, s16;
	p2 =	por !p2, p1;
	s18 =	simm.s32 @!p3 $0x0  }
0x33: {  	s21 =	smov.u32 s14;
	s16 =	simm.s32 @!p2 $0x0;
	s20 =	sadd.s32 s18, s13  }
0x34: {  	s16 =	smul.u32 @!p1 s16, s17;
	s17 =	sadd.s32 $0x1000, s14;
	p2 =	sgt.s32 s20, $0xF  }
0x35: {  	p0 =	por !p0, !p0;
	s22 =	simm.s32 @!p1 $0x2;
	s21 =	smov.u32 @p2 s17  }
0x36: {  	s19 =	simm.s32 @p3 $0x0;
	s20 =	simm.s32 @p2 $0x0;
	p2 =	sgt.s32 s21, $0xFFF  }
0x37: {  	s18 =	smov.u32 s10;
	s21 =	smov.u32 @p2 s2;
	p2 =	sne.s32 s15, s7  }
.Ltmp1:
0x38: {  	s10 =	smov.u32 s13;
	s16 =	sand.u32 @!p1 $0x3FFFFFFF, s16;
	(pc) =	sbr.rel @!p2 .LBB1_6-.Ltmp1, $4  }
0x39: {  	s17 =	smov.u32 s11;
	s11 =	smov.u32 s14;
	_ =	swait.ge @!p1 [sflag:s22], s16  }
0x3a: {  	s23 =	ssub.s32 @!p1 $0x0, s16;
	s16 =	smov.u32 s9;
	s9 =	smov.u32 s12  }
0x3b: {  	s12 =	smov.u32 s19;
	s13 =	smov.u32 s20;
	[sflag:s22] =	ssyncset.done @!p1 $0x0  }
0x3c: {  	s15 =	sadd.s32 $0x1, s15;
	[sflag:s22] =	ssyncadd.s32 @!p1 s23;
	s14 =	smov.u32 s21  }
.LBB1_1:
0x3d: {  	p1 =	sge.u32 s15, s5  }
0x3e: {  	s19 =	sshrl.u32 @!p1 s13, $0x3  }
0x3f: {  	s20 =	sshll.u32 @!p1 s12, $0x3;
	s19 =	smul.u32 @!p1 $0xC00, s19  }
0x40: {  	s21 =	sshll.u32 @!p1 s13, $0x7;
	s20 =	sand.u32 @!p1 $0xFFFFFC00, s20  }
0x41: {  	s19 =	sadd.s32 @!p1 s19, s20;
	s20 =	sand.u32 @!p1 $0x380, s21  }
0x42: {  	s21 =	sand.u32 @!p1 $0x7F, s12;
	s19 =	sor.u32 @!p1 s20, s19  }
0x43: {  	s20 =	sor.u32 @!p1 s21, s19  }
0x44: {  	s21 =	smulhi.u32 @!p1 $0xAAAAAAAB, s20  }
0x45: {  	s19 =	smulhi.u32 @!p1 $0xAAAAAAAB, s19  }
0x46: {  	s21 =	sshrl.u32 @!p1 s21, $0x8  }
0x47: {  	s31 =	sadd.s32 $0xFFFFFFFF, s15;
	s19 =	sshrl.u32 @!p1 s19, $0x8;
	s21 =	smul.u32 @!p1 $0x180, s21  }
0x48: {  	s22 =	sxor.u32 @!p1 $0xFFFFFFFF, s15;
	s23 =	smul.u32 @!p1 $0x300, s14;
	s19 =	sand.u32 @!p1 $0xF, s19  }
0x49: {  	s22 =	sshll.u32 @!p1 s22, $0xE;
	s19 =	smul.u32 @!p1 $0x30, s19;
	s20 =	ssub.s32 @!p1 s20, s21  }
0x4a: {  	s21 =	sand.u32 @!p1 $0x4000, s22;
	s22 =	sadd.s32 @!p1 s6, s23;
	s23 =	sand.u32 @!p1 $0x7, s20  }
0x4b: {  	s20 =	sshrl.u32 @!p1 s20, $0x3;
	s19 =	sadd.s32 @!p1 s19, s22;
	s22 =	sshll.u32 @!p1 s23, $0x12  }
0x4c: {  	s19 =	sadd.s32 @!p1 s20, s19;
	s20 =	sor.u32 @!p1 $0x80, s22;
	s22 =	simm.s32 @!p1 $0x1800  }
0x4d: {  	[tilespmem:s21], [sflag:$0x1] =	stream.strided.gather @!p1 [hbm4b:s19+s20], $0x4000, s22, s20, $0x38;
	[tilespmem:$0x10100] =	vst v63  }
0x4e: {  	p1 =	sge.u32 s31, s5  }
.Ltmp2:
0x4f: {  	_ = 	snop;
	(pc) =	sbr.rel @p1 .LBB1_5-.Ltmp2, $1  }
0x50: {  	_ =	sdelay $0x3  }
0x51: {  	s19 =	simm.s32 $0x1  }
0x52: {  	_ =	swait.ge [sflag:s4], $0x4000;
	s19 =	simm.s32 @!p0 $0x0  }
0x53: {  	[sflag:s4] =	ssyncset.done $0x0;
	s20 =	sshll.u32 s19, $0xE  }
0x54: {  	[sflag:s4] =	ssyncadd.s32 $0xFFFFC000;
	s20 =	sor.u32 $0x40, s20  }
0x55: {  	s19 =	smul.u32 $0x10200, s19;
	v0 =	vld [tilespmem:s20+$0x30]  }
0x56: {  	v1 =	vld [tilespmem:s20+$0xFFFFFFD0]  }
0x57: {  	s19 =	sshrl.u32 s19, $0x2;
	v5 =	vld [tilespmem:s20+$0xFFFFFFE0]  }
0x58: {  	v6 =	vld [tilespmem:s20+$0xFFFFFFF0];
	s22 =	sor.u32 $0x8000, s19  }
0x59: {  	s31 =	sand.u32 $0x1, s15;
	v4 =	vld [tilespmem:s20+$0x0];
	s21 =	sadd.s32 $0x0, s22  }
0x5a: {  	v3 =	vld [tilespmem:s20+$0x10];
	s19 =	smul.u32 $0x10200, s31;
	[tilespmem:s21+$0x3870 ss:$0x81] =	vst.msk $0xffff, v0  }
0x5b: {  	v2 =	vld [tilespmem:s20+$0x20];
	[tilespmem:s21+$0x810 ss:$0x81] =	vst.msk $0xffff, v1  }
0x5c: {  	s19 =	sshrl.u32 s19, $0x2;
	v1 =	vld [tilespmem:s20+$0xFFFFFFC0];
	[tilespmem:s21+$0x1020 ss:$0x81] =	vst.msk $0xffff, v5;
	s20 =	sadd.s32 $0x80, s20  }
0x5d: {  	s23 =	simm.s32 $0x4;
	s24 =	simm.s32 $0x8;
	s19 =	sor.u32 $0x8000, s19;
	[tilespmem:s21+$0x1830 ss:$0x81] =	vst.msk $0xffff, v6;
	v0 =	vld [tilespmem:s20+$0x30]  }
.LBB1_3:
0x5e: {  	p1 =	sne.s32 s24, $0x1FC;
	v5 =	vld [tilespmem:s20+$0xFFFFFFD0];
	[tilespmem:s21+$0x2040 ss:$0x81] =	vst.msk $0xffff, v4  }
0x5f: {  	v6 =	vld [tilespmem:s20+$0xFFFFFFE0];
	[tilespmem:s21+$0x2850 ss:$0x81] =	vst.msk $0xffff, v3  }
0x60: {  	s25 =	sshra.s32 s23, $0x2;
	s23 =	smov.u32 s24;
	v7 =	vld [tilespmem:s20+$0xFFFFFFF0];
	[tilespmem:s21+$0x3060 ss:$0x81] =	vst.msk $0xffff, v2  }
.Ltmp3:
0x61: {  	v4 =	vld [tilespmem:s20+$0x0];
	[tilespmem:s21+$0x0 ss:$0x81] =	vst.msk $0xffff, v1;
	s21 =	sadd.s32 s25, s22;
	(pc) =	sbr.rel @p1 .LBB1_3-.Ltmp3, $4  }
0x62: {  	v3 =	vld [tilespmem:s20+$0x10];
	[tilespmem:s21+$0x3870 ss:$0x81] =	vst.msk $0xffff, v0  }
0x63: {  	[tilespmem:s21+$0x810 ss:$0x81] =	vst.msk $0xffff, v5;
	v2 =	vld [tilespmem:s20+$0x20]  }
0x64: {  	v1 =	vld [tilespmem:s20+$0xFFFFFFC0];
	[tilespmem:s21+$0x1020 ss:$0x81] =	vst.msk $0xffff, v6;
	s20 =	sadd.s32 $0x80, s20  }
0x65: {  	s24 =	sadd.s32 $0x4, s24;
	v0 =	vld [tilespmem:s20+$0x30];
	[tilespmem:s21+$0x1830 ss:$0x81] =	vst.msk $0xffff, v7  }
.Ltmp4:
0x66: {  	_ = 	snop;
	(pc) =	sbr.rel .LBB1_4-.Ltmp4, $1  }
0x67: {  	_ =	sdelay $0x3  }
.LBB1_6:
0x68: {  	_ =	sfence.sel $0x180000  }
0x69: {  	s2 =	simm.s32 $0x1;
	[bflag:$0x0] =	sbarrier.arrive $0xFFFF  }
0x6a: {  	s31 =	simm.s32 $0x2;
	[sflag:s2] =	ssyncpa.u1 $0x1  }
0x6b: {  	[sflag:s31] =	ssyncpa.u1 $0x1  }
0x6c: {  	p0 =	sne.s32 s0, $0x0;
	_ =	strace $0x9000004A  }
0x6d: {  	s0 =	sadd.s32 @!p0 $0x100000, s1;
	[bflag:$0x2] =	sbarrier.arrive $0xFFFF  }
0x6e: {  	[sflag:s0] =	ssyncadd.tile.s32 @!p0 $0x1;
	_ =	shalt  }
.Lfunc_end1:
_tile_overlayer_lowered:
.L_overlay_start_2:
0x6f: {  	(tag) =	ssettag $0x2  }
0x70: {  	s0 =	rddreg [dreg:$0x0];
	s2 =	stileid.u32  }
0x71: {  	s1 =	rddreg [dreg:$0x1];
	p0 =	sne.s32 s2, $0x0  }
0x72: {  	s3 =	rddreg [dreg:$0x2];
	[bflag:$0x3] =	sbarrier.arrive $0xFFFF;
	s2 =	simm.s32 @!p0 $0x1C01  }
0x73: {  	[timem:s3], [sflag:s2] =	dma.local @!p0 [hbm:s0], s1  }
0x74: {  	s0 =	simm.s32 @!p0 $0x1  }
0x75: {  	_ =	swait.ge @!p0 [sflag:s0], s1  }
0x76: {  	s1 =	ssub.s32 @!p0 $0x0, s1;
	[sflag:s0] =	ssyncset.done @!p0 $0x0  }
0x77: {  	[sflag:s0] =	ssyncadd.s32 @!p0 s1  }
0x78: {  	[bflag:$0x3] =	sbarrier.arrive $0xFFFF  }
0x79: {  	_ =	shalt  }

// kernel: sparse-core-data-format-call.cloned.1.call-start
scs
called_computation_lowered:
.L_overlay_start_0:
0x0: {  	s2 =	sld [smem:$0x3FD9]  }
0x1: {  	s3 =	sld [smem:$0x3FFE];
	_ =	sdelay $0x1  }
0x2: {  	s1 =	srdreg.scid  }
0x3: {  	s0 =	sand.u32 $0x1, s1  }
0x4: {  	s15 =	sshll.u32 s0, $0xA;
	s2 =	sadd.s32 s3, s2  }
0x5: {  	s2 =	sadd.s32 s2, s15  }
0x6: {  	[smem:$0x3FC6] =	sst s2  }
0x7: {  	_ = 	snop  }
0x8: {  	s2 =	sld [smem:$0x3FD0];
	_ =	sdelay $0x2  }
0x9: {  	s16 =	simm.s32 $0xB;
	s4 =	simm.s32 $0x10  }
0xa: {  	[smem:s4], [sflag:s16] =	dma.local [hbm:s2], $0x1  }
0xb: {  	_ =	swait.eq [sflag:s16], $0x1  }
0xc: {  	[sflag:s16] =	ssyncset.done $0x0  }
0xd: {  	[sflag:s16] =	ssyncadd.s32 $0xFFFFFFFF  }
0xe: {  	s17 =	sld [smem:$0x11];
	(tm) =	ssettm $0x1  }
0xf: {  	s18 =	sld [smem:$0x3FFB];
	_ =	sdelay $0x3  }
0x10: {  	_ =	strace s18  }
0x11: {  	s3 =	sld [smem:$0x3FFC];
	_ =	sdelay $0x3  }
0x12: {  	_ =	strace s3  }
0x13: {  	s3 =	sld [smem:$0x3FFD];
	_ =	sdelay $0x3  }
0x14: {  	_ =	strace s3  }
0x15: {  	_ =	strace $0x8FFFFFFF  }
0x16: {  	s19 =	sld [smem:$0x3FDB];
	_ =	sdelay $0x1  }
0x17: {  	s20 =	simm.s32 $_scs_section_size  }
0x18: {  	s5 =	simm.s32 $_size__tile_overlayer_lowered;
	s6 =	simm.s32 $_tile_overlayer_lowered  }
0x19: {  	s23 =	simm.s32 $0x1BFF;
	s22 =	sshll.u32 s6, $0x1;
	s3 =	sadd.s32 s20, s19  }
0x1a: {  	s7 =	simm.s32 $0x0;
	s21 =	sshll.u32 s5, $0x1;
	s5 =	sadd.s32 s22, s3  }
0x1b: {  	[timem:s7], [sflag:s23] =	dma.local [hbm:s5], s21  }
0x1c: {  	_ =	swait.ge [sflag:s23], s21  }
0x1d: {  	s4 =	ssub.s32 $0x0, s21;
	[sflag:s23] =	ssyncset.done $0x0  }
0x1e: {  	[sflag:s23] =	ssyncadd.s32 s4;
	_ =	sdelay $0x1  }
0x1f: {  	s24 =	simm.s32 $0x1B8B  }
0x20: {  	_ =	swait.ge [sflag:s24], $0x1  }
0x21: {  	[sflag:s24] =	ssyncset.done $0x0  }
0x22: {  	s26 =	simm.s32 $0x1B8E;
	s25 =	sld [smem:$0x3FFE];
	[sflag:s24] =	ssyncadd.s32 $0xFFFFFFFF  }
0x23: {  	s27 =	simm.s32 $execute0_lowered;
	[smem:$0x3FD2] =	sst s26  }
0x24: {  	s5 =	sshll.u32 s27, $0x1;
	_ =	strace $0x80000046;
	[dreg:$0x1] =	wrdreg $0xFFFFFFFF  }
0x25: {  	s28 =	simm.s32 $_size_execute0_lowered;
	s3 =	sadd.s32 s3, s5;
	[dreg:$0x0] =	wrdreg $0x0  }
0x26: {  	s5 =	sshll.u32 s28, $0x1;
	[dreg:$0x2] =	wrdreg s3  }
0x27: {  	[dreg:$0x3] =	wrdreg s5  }
0x28: {  	[dreg:$0x4] =	wrdreg $0xC0  }
0x29: {  	_ =	task [dreg:s7], $0x5FFFF  }
0x2a: {  	[dreg:$0x1] =	wrdreg $0xFFFFFFFF  }
0x2b: {  	[dreg:$0x0] =	wrdreg $0x60  }
0x2c: {  	[dreg:$0x2] =	wrdreg s25  }
0x2d: {  	[dreg:$0x3] =	wrdreg s17  }
0x2e: {  	[dreg:$0x4] =	wrdreg $0x9  }
0x2f: {  	_ =	task.clear_ibuf [dreg:s7], $0x5FFFF;
	_ =	strace $0x90000046  }
0x30: {  	s29 =	simm.s32 $0x9;
	_ =	strace $0x80000048  }
0x31: {  	_ =	swait.ge [sflag:s29], $0x1  }
0x32: {  	[sflag:s29] =	ssyncadd.s32 $0xFFFFFFFF  }
0x33: {  	_ =	strace $0x90000048  }
0x34: {  	_ =	sfence  }
0x35: {  	s30 =	sld [smem:$0x0];
	_ =	sdelay $0x2  }
0x36: {  	s31 =	sshll.u32 s1, $0xD;
	s1 =	sshrl.u32 s1, $0x2  }
0x37: {  	s3 =	sand.u32 $0x4000, s31;
	s1 =	sadd.s32 s1, s30  }
0x38: {  	s0 =	sor.u32 s3, s0;
	s1 =	sshll.u32 s1, $0x11  }
0x39: {  	s0 =	sor.u32 s1, s0  }
0x3a: {  	s0 =	sadd.s32 $0x8F2B, s0  }
0x3b: {  	[sflag:s0] =	ssyncadd.remote.s32 $0x1  }
0x3c: {  	_ =	sfence.sel $0xFFFF  }
0x3d: {  	[dreg:$0x0] =	wrdreg $0xFFFFFFFF;
	(pc) =	sbr.abs _section_cstart, $3  }
0x3e: {  	[dreg:$0x1] =	wrdreg $0xFFFFFFFF  }
0x3f: {  	_ =	task.clear_ibuf [dreg:s7], $0x2FFFF;
	_ =	strace $0x9FFFFFFF  }
0x40: {  	(tm) =	ssettm $0x7FFFFFFF  }
0x41: {  	_ =	shalt  }
tec
execute0_lowered:
.L_overlay_start_1:
0x0: {  	(tag) =	ssettag $0x1  }
0x1: {  	s0 =	srdreg.scid;
	s6 =	rddreg [dreg:$0x0]  }
0x2: {  	s3 =	rddreg [dreg:$0x1];
	s1 =	sshll.u32 s0, $0x4  }
0x3: {  	s5 =	simm.s32 $0x1;
	s0 =	stileid.u32;
	s1 =	sand.u32 $0x10, s1  }
0x4: {  	s31 =	simm.s32 $0x2;
	s16 =	simm.s32 $0x0;
	s1 =	sor.u32 s0, s1  }
0x5: {  	s8 =	simm.s32 $0x8000;
	s18 =	simm.s32 $0x0;
	s2 =	sshll.u32 s1, $0x7  }
0x6: {  	s17 =	simm.s32 $0x0;
	s9 =	simm.s32 $0x0;
	s4 =	ssub.s32 $0x1000, s2  }
0x7: {  	s10 =	simm.s32 $0x0;
	s11 =	simm.s32 $0x0;
	s30 =	sand.u32 $0xF80, s4  }
0x8: {  	s12 =	simm.s32 $0x0;
	s13 =	simm.s32 $0x0;
	p0 =	sne.s32 s30, $0x0  }
.Ltmp0:
0x9: {  	s7 =	sshrl.u32 s4, $0xC;
	s5 =	simm.s32 @!p0 $0x0;
	(pc) =	sbr.rel .LBB1_1-.Ltmp0, $4  }
0xa: {  	s15 =	simm.s32 $0x0;
	s1 =	rddreg [dreg:$0x2];
	s5 =	sadd.s32 s5, s7  }
0xb: {  	_ =	strace $0x80000047;
	s4 =	simm.s32 $0x1;
	s5 =	smul.u32 $0x30, s5  }
0xc: {  	s6 =	sadd.s32 $0xC00, s6;
	s14 =	smov.u32 s2;
	[sflag:s4] =	ssyncpa.u1 $0x0  }
0xd: {  	[sflag:s31] =	ssyncpa.u1 $0x0;
	p0 =	por $0x0, $0x0;
	s7 =	sor.u32 $0x1, s5  }
.LBB1_4:
0xe: {  	s23 =	sshra.s32 s23, $0x2;
	s30 =	sshll.u32 s9, $0xC  }
0xf: {  	p1 =	sgt.s32 s10, $0xF;
	s24 =	smov.u32 s10;
	s25 =	sshra.s32 s10, $0x1F  }
0x10: {  	s26 =	sshll.u32 s11, $0x3;
	s28 =	smov.u32 s11;
	s29 =	sshra.s32 s11, $0x1F  }
0x11: {  	s22 =	sadd.s32 s23, s22;
	s24 =	simm.s32 @!p1 $0xF;
	s25 =	sand.u32 s25, s10  }
0x12: {  	s23 =	sand.u32 $0xFFFF8000, s30;
	s27 =	sand.u32 $0xFFFFFC00, s26;
	p1 =	sgt.s32 s9, $0xC0  }
0x13: {  	s31 =	sand.u32 s29, s11;
	s29 =	sshll.u32 s9, $0x7;
	s30 =	sshra.s32 s9, $0x1F  }
0x14: {  	[tilespmem:s21+$0x2040 ss:$0x81] =	vst.msk $0xffff, v4;
	s24 =	ssub.s32 s24, s25;
	s23 =	sadd.s32 s27, s23;
	s27 =	smov.u32 s9  }
0x15: {  	[tilespmem:s21+$0x2850 ss:$0x81] =	vst.msk $0xffff, v3;
	s29 =	sand.u32 $0x380, s29;
	s25 =	sadd.s32 $0xFFFFFFF1, s24;
	s27 =	simm.s32 @!p1 $0xC0  }
0x16: {  	v5 =	vld [tilespmem:s20+$0xFFFFFFD0];
	[tilespmem:s21+$0x3060 ss:$0x81] =	vst.msk $0xffff, v2;
	p1 =	sgt.s32 s11, $0xF80;
	s23 =	sshrl.u32 s23, $0xC;
	s24 =	ssub.s32 $0x10, s24  }
0x17: {  	v58 =	vld [tilespmem:s20+$0xFFFFFFE0];
	[tilespmem:s21+$0x0 ss:$0x81] =	vst.msk $0xffff, v1;
	s28 =	simm.s32 @!p1 $0xF80;
	p1 =	sgt.s32 s25, $0x0;
	s21 =	smulhi.u32 $0xCCCCCD, s23  }
0x18: {  	v59 =	vld [tilespmem:s20+$0xFFFFFFF0];
	s25 =	ssub.s32 s28, s31;
	s28 =	sand.u32 s30, s9;
	s24 =	simm.s32 @p1 $0x0  }
0x19: {  	v60 =	vld [tilespmem:s20+$0x0];
	s27 =	ssub.s32 s27, s28;
	s31 =	sadd.s32 $0xFFFFF080, s25;
	s25 =	ssub.s32 $0x1000, s25  }
0x1a: {  	v61 =	vld [tilespmem:s20+$0x10];
	[tilespmem:s22+$0x3870 ss:$0x81] =	vst.msk $0xffff, v0;
	s21 =	smul.u32 $0x140, s21;
	s28 =	sand.u32 $0x7, s11;
	p1 =	sgt.s32 s31, $0x7F  }
0x1b: {  	v62 =	vld [tilespmem:s20+$0x20];
	[tilespmem:s22+$0x810 ss:$0x81] =	vst.msk $0xffff, v5;
	s30 =	sadd.s32 $0xFFFFFF40, s27;
	s31 =	sand.u32 $0x78, s11;
	s25 =	simm.s32 @p1 $0x0  }
0x1c: {  	v63 =	vld [tilespmem:s20+$0xFFFFFFC0];
	[tilespmem:s22+$0x1020 ss:$0x81] =	vst.msk $0xffff, v58;
	p1 =	sgt.s32 s30, $0x7F;
	s30 =	sand.u32 $0xC00, s26;
	s24 =	smul.u32 s25, s24  }
0x1d: {  	[tilespmem:s22+$0x1830 ss:$0x81] =	vst.msk $0xffff, v59;
	s26 =	ssub.s32 $0x140, s27;
	s20 =	sor.u32 s31, s30;
	s31 =	smul.u32 $0x28000, s10  }
0x1e: {  	[tilespmem:s22+$0x2040 ss:$0x81] =	vst.msk $0xffff, v60;
	s21 =	ssub.s32 s23, s21;
	s26 =	simm.s32 @p1 $0x0;
	s20 =	sor.u32 s29, s20  }
0x1f: {  	[tilespmem:s22+$0x2850 ss:$0x81] =	vst.msk $0xffff, v61;
	s26 =	smul.u32 s26, s24;
	s20 =	sshrl.u32 s20, $0x3;
	s27 =	sadd.s32 s3, s31  }
0x20: {  	[tilespmem:s22+$0x3060 ss:$0x81] =	vst.msk $0xffff, v62;
	s21 =	sshll.u32 s21, $0x9;
	s29 =	sshll.u32 s28, $0x12;
	s20 =	sadd.s32 s20, s27  }
0x21: {  	[tilespmem:s22+$0x0 ss:$0x81] =	vst.msk $0xffff, v63;
	s31 =	sor.u32 $0x400, s29;
	s30 =	sand.u32 $0x3FFFFFFF, s26;
	s20 =	sadd.s32 s21, s20  }
0x22: {  	[hbm4b:s20+s31] =	stream.strided.scatter [tilespmem:s19], [sflag:$0x2], s30, s8, s31, $0x20;
	[tilespmem:$0x10100] =	vst v63  }
.LBB1_5:
0x23: {  	p1 =	slt.u32 s15, $0x2  }
0x24: {  	p2 =	sgt.s32 @!p1 s18, $0xF  }
0x25: {  	s19 =	smov.u32 s18;
	s20 =	sshra.s32 @!p1 s18, $0x1F;
	p2 =	por !p2, p1  }
0x26: {  	s18 =	sand.u32 @!p1 s20, s18;
	s19 =	simm.s32 @p2 $0xF  }
0x27: {  	p3 =	sgt.s32 @!p1 s16, $0xC0;
	s18 =	ssub.s32 @!p1 s19, s18  }
0x28: {  	p4 =	sgt.s32 @!p1 s17, $0xF80;
	s21 =	sshra.s32 @!p1 s17, $0x1F;
	s19 =	sadd.s32 @!p1 $0xFFFFFFF1, s18  }
0x29: {  	s20 =	smov.u32 s16;
	p2 =	sgt.s32 @!p1 s19, $0x0;
	s19 =	sshra.s32 @!p1 s16, $0x1F  }
0x2a: {  	p4 =	por !p4, p1;
	s16 =	sand.u32 @!p1 s19, s16;
	s19 =	smov.u32 s17  }
0x2b: {  	p3 =	por !p3, p1;
	s17 =	sand.u32 @!p1 s21, s17;
	s19 =	simm.s32 @p4 $0xF80  }
0x2c: {  	s20 =	simm.s32 @p3 $0xC0;
	s18 =	ssub.s32 @!p1 $0x10, s18;
	s17 =	ssub.s32 @!p1 s19, s17  }
0x2d: {  	p2 =	por !p2, p1;
	s16 =	ssub.s32 @!p1 s20, s16;
	s20 =	sadd.s32 @!p1 $0xFFFFF080, s17  }
0x2e: {  	s18 =	simm.s32 @!p2 $0x0;
	p3 =	sgt.s32 @!p1 s20, $0x7F  }
0x2f: {  	s19 =	sadd.s32 @!p1 $0xFFFFFF40, s16;
	s17 =	ssub.s32 @!p1 $0x1000, s17;
	p3 =	por !p3, p1  }
0x30: {  	p2 =	sgt.s32 @!p1 s19, $0x7F;
	s19 =	sadd.s32 $0x80, s12;
	s17 =	simm.s32 @!p3 $0x0  }
0x31: {  	p3 =	sgt.s32 s19, $0x13F;
	s17 =	smul.u32 @!p1 s17, s18;
	s18 =	simm.s32 $0x1  }
0x32: {  	s16 =	ssub.s32 @!p1 $0x140, s16;
	p2 =	por !p2, p1;
	s18 =	simm.s32 @!p3 $0x0  }
0x33: {  	s21 =	smov.u32 s14;
	s16 =	simm.s32 @!p2 $0x0;
	s20 =	sadd.s32 s18, s13  }
0x34: {  	s16 =	smul.u32 @!p1 s16, s17;
	s17 =	sadd.s32 $0x1000, s14;
	p2 =	sgt.s32 s20, $0xF  }
0x35: {  	p0 =	por !p0, !p0;
	s22 =	simm.s32 @!p1 $0x2;
	s21 =	smov.u32 @p2 s17  }
0x36: {  	s19 =	simm.s32 @p3 $0x0;
	s20 =	simm.s32 @p2 $0x0;
	p2 =	sgt.s32 s21, $0xFFF  }
0x37: {  	s18 =	smov.u32 s10;
	s21 =	smov.u32 @p2 s2;
	p2 =	sne.s32 s15, s7  }
.Ltmp1:
0x38: {  	s10 =	smov.u32 s13;
	s16 =	sand.u32 @!p1 $0x3FFFFFFF, s16;
	(pc) =	sbr.rel @!p2 .LBB1_6-.Ltmp1, $4  }
0x39: {  	s17 =	smov.u32 s11;
	s11 =	smov.u32 s14;
	_ =	swait.ge @!p1 [sflag:s22], s16  }
0x3a: {  	s23 =	ssub.s32 @!p1 $0x0, s16;
	s16 =	smov.u32 s9;
	s9 =	smov.u32 s12  }
0x3b: {  	s12 =	smov.u32 s19;
	s13 =	smov.u32 s20;
	[sflag:s22] =	ssyncset.done @!p1 $0x0  }
0x3c: {  	s15 =	sadd.s32 $0x1, s15;
	[sflag:s22] =	ssyncadd.s32 @!p1 s23;
	s14 =	smov.u32 s21  }
.LBB1_1:
0x3d: {  	p1 =	sge.u32 s15, s5  }
0x3e: {  	s19 =	sshrl.u32 @!p1 s13, $0x3  }
0x3f: {  	s20 =	sshll.u32 @!p1 s12, $0x3;
	s19 =	smul.u32 @!p1 $0xC00, s19  }
0x40: {  	s21 =	sshll.u32 @!p1 s13, $0x7;
	s20 =	sand.u32 @!p1 $0xFFFFFC00, s20  }
0x41: {  	s19 =	sadd.s32 @!p1 s19, s20;
	s20 =	sand.u32 @!p1 $0x380, s21  }
0x42: {  	s21 =	sand.u32 @!p1 $0x7F, s12;
	s19 =	sor.u32 @!p1 s20, s19  }
0x43: {  	s20 =	sor.u32 @!p1 s21, s19  }
0x44: {  	s21 =	smulhi.u32 @!p1 $0xAAAAAAAB, s20  }
0x45: {  	s19 =	smulhi.u32 @!p1 $0xAAAAAAAB, s19  }
0x46: {  	s21 =	sshrl.u32 @!p1 s21, $0x8  }
0x47: {  	s31 =	sadd.s32 $0xFFFFFFFF, s15;
	s19 =	sshrl.u32 @!p1 s19, $0x8;
	s21 =	smul.u32 @!p1 $0x180, s21  }
0x48: {  	s22 =	sxor.u32 @!p1 $0xFFFFFFFF, s15;
	s23 =	smul.u32 @!p1 $0x300, s14;
	s19 =	sand.u32 @!p1 $0xF, s19  }
0x49: {  	s22 =	sshll.u32 @!p1 s22, $0xE;
	s19 =	smul.u32 @!p1 $0x30, s19;
	s20 =	ssub.s32 @!p1 s20, s21  }
0x4a: {  	s21 =	sand.u32 @!p1 $0x4000, s22;
	s22 =	sadd.s32 @!p1 s6, s23;
	s23 =	sand.u32 @!p1 $0x7, s20  }
0x4b: {  	s20 =	sshrl.u32 @!p1 s20, $0x3;
	s19 =	sadd.s32 @!p1 s19, s22;
	s22 =	sshll.u32 @!p1 s23, $0x12  }
0x4c: {  	s19 =	sadd.s32 @!p1 s20, s19;
	s20 =	sor.u32 @!p1 $0x80, s22;
	s22 =	simm.s32 @!p1 $0x1800  }
0x4d: {  	[tilespmem:s21], [sflag:$0x1] =	stream.strided.gather @!p1 [hbm4b:s19+s20], $0x4000, s22, s20, $0x38;
	[tilespmem:$0x10100] =	vst v63  }
0x4e: {  	p1 =	sge.u32 s31, s5  }
.Ltmp2:
0x4f: {  	_ = 	snop;
	(pc) =	sbr.rel @p1 .LBB1_5-.Ltmp2, $1  }
0x50: {  	_ =	sdelay $0x3  }
0x51: {  	s19 =	simm.s32 $0x1  }
0x52: {  	_ =	swait.ge [sflag:s4], $0x4000;
	s19 =	simm.s32 @!p0 $0x0  }
0x53: {  	[sflag:s4] =	ssyncset.done $0x0;
	s20 =	sshll.u32 s19, $0xE  }
0x54: {  	[sflag:s4] =	ssyncadd.s32 $0xFFFFC000;
	s20 =	sor.u32 $0x40, s20  }
0x55: {  	s19 =	smul.u32 $0x10200, s19;
	v0 =	vld [tilespmem:s20+$0x30]  }
0x56: {  	v1 =	vld [tilespmem:s20+$0xFFFFFFD0]  }
0x57: {  	s19 =	sshrl.u32 s19, $0x2;
	v5 =	vld [tilespmem:s20+$0xFFFFFFE0]  }
0x58: {  	v6 =	vld [tilespmem:s20+$0xFFFFFFF0];
	s22 =	sor.u32 $0x8000, s19  }
0x59: {  	s31 =	sand.u32 $0x1, s15;
	v4 =	vld [tilespmem:s20+$0x0];
	s21 =	sadd.s32 $0x0, s22  }
0x5a: {  	v3 =	vld [tilespmem:s20+$0x10];
	s19 =	smul.u32 $0x10200, s31;
	[tilespmem:s21+$0x3870 ss:$0x81] =	vst.msk $0xffff, v0  }
0x5b: {  	v2 =	vld [tilespmem:s20+$0x20];
	[tilespmem:s21+$0x810 ss:$0x81] =	vst.msk $0xffff, v1  }
0x5c: {  	s19 =	sshrl.u32 s19, $0x2;
	v1 =	vld [tilespmem:s20+$0xFFFFFFC0];
	[tilespmem:s21+$0x1020 ss:$0x81] =	vst.msk $0xffff, v5;
	s20 =	sadd.s32 $0x80, s20  }
0x5d: {  	s23 =	simm.s32 $0x4;
	s24 =	simm.s32 $0x8;
	s19 =	sor.u32 $0x8000, s19;
	[tilespmem:s21+$0x1830 ss:$0x81] =	vst.msk $0xffff, v6;
	v0 =	vld [tilespmem:s20+$0x30]  }
.LBB1_3:
0x5e: {  	p1 =	sne.s32 s24, $0x1FC;
	v5 =	vld [tilespmem:s20+$0xFFFFFFD0];
	[tilespmem:s21+$0x2040 ss:$0x81] =	vst.msk $0xffff, v4  }
0x5f: {  	v6 =	vld [tilespmem:s20+$0xFFFFFFE0];
	[tilespmem:s21+$0x2850 ss:$0x81] =	vst.msk $0xffff, v3  }
0x60: {  	s25 =	sshra.s32 s23, $0x2;
	s23 =	smov.u32 s24;
	v7 =	vld [tilespmem:s20+$0xFFFFFFF0];
	[tilespmem:s21+$0x3060 ss:$0x81] =	vst.msk $0xffff, v2  }
.Ltmp3:
0x61: {  	v4 =	vld [tilespmem:s20+$0x0];
	[tilespmem:s21+$0x0 ss:$0x81] =	vst.msk $0xffff, v1;
	s21 =	sadd.s32 s25, s22;
	(pc) =	sbr.rel @p1 .LBB1_3-.Ltmp3, $4  }
0x62: {  	v3 =	vld [tilespmem:s20+$0x10];
	[tilespmem:s21+$0x3870 ss:$0x81] =	vst.msk $0xffff, v0  }
0x63: {  	[tilespmem:s21+$0x810 ss:$0x81] =	vst.msk $0xffff, v5;
	v2 =	vld [tilespmem:s20+$0x20]  }
0x64: {  	v1 =	vld [tilespmem:s20+$0xFFFFFFC0];
	[tilespmem:s21+$0x1020 ss:$0x81] =	vst.msk $0xffff, v6;
	s20 =	sadd.s32 $0x80, s20  }
0x65: {  	s24 =	sadd.s32 $0x4, s24;
	v0 =	vld [tilespmem:s20+$0x30];
	[tilespmem:s21+$0x1830 ss:$0x81] =	vst.msk $0xffff, v7  }
.Ltmp4:
0x66: {  	_ = 	snop;
	(pc) =	sbr.rel .LBB1_4-.Ltmp4, $1  }
0x67: {  	_ =	sdelay $0x3  }
.LBB1_6:
0x68: {  	_ =	sfence.sel $0x180000  }
0x69: {  	s2 =	simm.s32 $0x1;
	[bflag:$0x0] =	sbarrier.arrive $0xFFFF  }
0x6a: {  	s31 =	simm.s32 $0x2;
	[sflag:s2] =	ssyncpa.u1 $0x1  }
0x6b: {  	[sflag:s31] =	ssyncpa.u1 $0x1  }
0x6c: {  	p0 =	sne.s32 s0, $0x0;
	_ =	strace $0x90000047  }
0x6d: {  	s0 =	sadd.s32 @!p0 $0x100000, s1;
	[bflag:$0x2] =	sbarrier.arrive $0xFFFF  }
0x6e: {  	[sflag:s0] =	ssyncadd.tile.s32 @!p0 $0x1;
	_ =	shalt  }
.Lfunc_end1:
_tile_overlayer_lowered:
.L_overlay_start_2:
0x6f: {  	(tag) =	ssettag $0x2  }
0x70: {  	s0 =	rddreg [dreg:$0x0];
	s2 =	stileid.u32  }
0x71: {  	s1 =	rddreg [dreg:$0x1];
	p0 =	sne.s32 s2, $0x0  }
0x72: {  	s3 =	rddreg [dreg:$0x2];
	[bflag:$0x3] =	sbarrier.arrive $0xFFFF;
	s2 =	simm.s32 @!p0 $0x1C01  }
0x73: {  	[timem:s3], [sflag:s2] =	dma.local @!p0 [hbm:s0], s1  }
0x74: {  	s0 =	simm.s32 @!p0 $0x1  }
0x75: {  	_ =	swait.ge @!p0 [sflag:s0], s1  }
0x76: {  	s1 =	ssub.s32 @!p0 $0x0, s1;
	[sflag:s0] =	ssyncset.done @!p0 $0x0  }
0x77: {  	[sflag:s0] =	ssyncadd.s32 @!p0 s1  }
0x78: {  	[bflag:$0x3] =	sbarrier.arrive $0xFFFF  }
0x79: {  	_ =	shalt  }

</sc_bundles>
